<compile_context>
chip_gen: v7x
topology: tpu7x:2x2x1
jax: 0.10.2.dev20260603
libtpu: 0.0.44.dev20260713+nightly
codegen_flags: <defaults>
</compile_context>

<pallas_src>
import functools

import jax
import jax.numpy as jnp
import numpy as np
from jax import lax
from jax.experimental import pallas as pl
from jax.experimental.pallas import tpu as pltpu
from jax.experimental.pallas import tpu_sc as plsc

C = 16
D = 512
DIN = 256
DOUT = 256
EPS = 1e-20

_L = 16


def _uniform_noise(seed: int, n: int) -> np.ndarray:
    k0, k1 = np.uint32(seed >> 32), np.uint32(seed & 0xFFFFFFFF)
    ks = [k0, k1, np.uint32(k0 ^ k1 ^ np.uint32(0x1BD11BDA))]
    x0 = np.zeros(n, dtype=np.uint32)
    x1 = np.arange(n, dtype=np.uint32)

    def rotl(v, r):
        return (v << r) | (v >> np.uint32(32 - r))

    x0 += ks[0]
    x1 += ks[1]
    rot = [np.uint32(r) for r in (13, 15, 26, 6, 17, 29, 16, 24)]
    order = [(1, 2), (2, 0), (0, 1), (1, 2), (2, 0)]
    for g in range(5):
        for r in rot[0:4] if g % 2 == 0 else rot[4:8]:
            x0 += x1
            x1 = rotl(x1, r)
            x1 ^= x0
        a, b = order[g]
        x0 += ks[a]
        x1 += ks[b] + np.uint32(g + 1)
    bits = x0 ^ x1
    fl = ((bits >> np.uint32(9)) | np.uint32(0x3F800000)).view(np.float32) - 1.0
    return np.maximum(0.0, fl).astype(np.float32)


_NOISE = _uniform_noise(42, C * D).reshape(C, 1, D)


_CB = 8
_NSTEP = C // _CB


def _tc_logits_argmax(x_ref, w_ref, b_ref, noise_ref, knn_ref, idx_ref, v_ref):
    c = pl.program_id(0)
    logits = jnp.dot(x_ref[0:1], w_ref[...],
                     preferred_element_type=jnp.float32) + b_ref[...]
    z = logits.reshape(_CB, D)
    scale = knn_ref[0]
    samples = scale * (noise_ref[:, 0, :] - 0.5) + 0.5
    g = -jnp.log(-jnp.log(samples + EPS) + EPS)
    v_ref[c] = z + g

    @pl.when(c == _NSTEP - 1)
    def _():
        ind = jnp.argmax(v_ref[...].reshape(C, D), axis=-1).astype(jnp.int32)
        idx_ref[...] = (ind + lax.iota(jnp.int32, C) * D).reshape(1, C)


def _sc_decode(idx_hbm, wdec_hbm, bdec_hbm, out_hbm, idx_v, rows_v, acc_v,
               semi, semb, semg):
    ci = pltpu.async_copy(idx_hbm, idx_v, semi)
    cb = pltpu.async_copy(bdec_hbm, acc_v, semb)
    ci.wait()
    cg = pltpu.async_copy(wdec_hbm.at[idx_v], rows_v, semg)
    cb.wait()
    cg.wait()
    for j in range(DOUT // _L):
        sl = pl.ds(j * _L, _L)
        acc = acc_v[sl]
        for r in range(C):
            acc = acc + rows_v[r, sl]
        acc_v[sl] = acc
    pltpu.sync_copy(acc_v, out_hbm)


def kernel(x, knn, W_est, b_est, W_dec, b_dec):
    idx = pl.pallas_call(
        _tc_logits_argmax,
        grid=(_NSTEP,),
        out_shape=jax.ShapeDtypeStruct((1, C), jnp.int32),
        in_specs=[
            pl.BlockSpec((8, DIN), lambda c: (0, 0)),
            pl.BlockSpec((DIN, _CB * D), lambda c: (0, c)),
            pl.BlockSpec((1, _CB * D), lambda c: (0, c)),
            pl.BlockSpec((_CB, 1, D), lambda c: (c, 0, 0)),
            pl.BlockSpec(memory_space=pltpu.SMEM),
        ],
        out_specs=pl.BlockSpec((1, C), lambda c: (0, 0)),
        scratch_shapes=[pltpu.VMEM((_NSTEP, _CB, D), jnp.float32)],
    )(x, W_est, b_est.reshape(1, C * D), jnp.asarray(_NOISE), knn[:1])

    mesh = plsc.VectorSubcoreMesh(core_axis_name="c", subcore_axis_name="s",
                                  num_cores=1, num_subcores=1)
    decode = functools.partial(
        pl.kernel,
        out_type=jax.ShapeDtypeStruct((DOUT,), jnp.float32),
        mesh=mesh,
        scratch_types=[
            pltpu.VMEM((C,), jnp.int32),
            pltpu.VMEM((C, DOUT), jnp.float32),
            pltpu.VMEM((DOUT,), jnp.float32),
            pltpu.SemaphoreType.DMA,
            pltpu.SemaphoreType.DMA,
            pltpu.SemaphoreType.DMA,
        ],
    )(_sc_decode)
    return decode(idx.reshape(C), W_dec, b_dec)

# --- scband reference (transcript-rebuilt; emitter-appended) ---
"""Pipeline reference for scband-model-10746008174637 (READ-ONLY COPY).

The authoritative reference and input builder live on the scoring server;
editing this copy changes nothing except your own understanding.
"""

import jax, jax.numpy as jnp
import numpy as np

C = 16
D = 512
K = 2
B = 2048
DIN = 256
DOUT = 256
EPS = 1e-20


def setup_inputs(seed: int = 0) -> dict:
    key = jax.random.key(seed)
    ks = jax.random.split(key, 6)
    x = jax.random.normal(ks[0], (B, DIN), dtype=jnp.float32)
    knn = jax.random.uniform(ks[1], (K,), dtype=jnp.float32)
    W_est = jax.random.normal(ks[2], (DIN, C * D), dtype=jnp.float32) * 0.02
    b_est = jnp.zeros((C * D,), dtype=jnp.float32)
    W_dec = jax.random.normal(ks[3], (C * D, DOUT), dtype=jnp.float32) * 0.02
    b_dec = jnp.zeros((DOUT,), dtype=jnp.float32)
    return {"x": x, "knn": knn, "W_est": W_est, "b_est": b_est, "W_dec": W_dec, "b_dec": b_dec}


def _gumbel_softmax(logits, temperature, scale, noise):
    # sample_gumbel: scale reshaped to [-1,1,1,1], noise in U(0,1)-0.5
    scale = scale.reshape(-1, 1, 1, 1)
    samples = scale * (noise - 0.5) + 0.5
    g = -jnp.log(-jnp.log(samples + EPS) + EPS)
    y = jax.nn.softmax((logits + g) / temperature, axis=-1)
    y_soft = y
    # straight-through hard one-hot (torch scatter_ of 1 at argmax)
    ind = jnp.argmax(y, axis=-1)
    y_hard = jax.nn.one_hot(ind, y.shape[-1], dtype=y.dtype)
    y_hard = jax.lax.stop_gradient(y_hard - y) + y
    return y_soft, y_hard


def reference(x, knn, W_est, b_est, W_dec, b_dec):
    # utility.Normalize(x, XNorm) with XNorm=(mean=0, std=1)
    x_mean, x_std = 0.0, 1.0
    y_mean, y_std = 0.0, 1.0
    xn = (x - x_mean) / x_std
    # Estimator (linear) -> logits [B, C*D]
    estimate_logits = xn @ W_est + b_est
    # sample(z, knn): reshape to [B, C, D], repeat over knn dim -> [K, B, C, D]
    z = estimate_logits.reshape(-1, C, D)
    z = jnp.broadcast_to(z[None], (K,) + z.shape)
    noise = jax.random.uniform(jax.random.key(42), z.shape, dtype=z.dtype)
    z_soft, z_hard = _gumbel_softmax(z, 1.0, knn, noise)
    estimate = z_hard.reshape(-1, C * D)
    # Decoder (linear) on hard samples
    y = estimate @ W_dec + b_dec
    # utility.Renormalize(y, YNorm)[0]
    y = y * y_std + y_mean
    return y[0]

if __name__ == "__main__":
    import jax
    _d = setup_inputs()
    print(jax.jit(kernel)(*tuple(_d.values())))

</pallas_src>

<mosaic_0001>
#map = affine_map<(d0, d1) -> (0)>
#map1 = affine_map<(d0, d1) -> (0, 0)>
module attributes {stable_mosaic.version = 14 : i64} {
  func.func @_sc_decode(%arg0: i32, %arg1: i32, %arg2: memref<16xi32, #tpu.memory_space<hbm>>, %arg3: memref<8192x256xf32, #tpu.memory_space<hbm>>, %arg4: memref<256xf32, #tpu.memory_space<hbm>>, %arg5: memref<256xf32, #tpu.memory_space<hbm>>, %arg6: memref<16xi32, #tpu.memory_space<vmem>>, %arg7: memref<16x256xf32, #tpu.memory_space<vmem>>, %arg8: memref<256xf32, #tpu.memory_space<vmem>>, %arg9: memref<!tpu.dma_semaphore, #tpu.memory_space<semaphore_mem>>, %arg10: memref<!tpu.dma_semaphore, #tpu.memory_space<semaphore_mem>>, %arg11: memref<!tpu.dma_semaphore, #tpu.memory_space<semaphore_mem>>) attributes {dimension_semantics = [#tpu.dimension_semantics<core_parallel>, #tpu.dimension_semantics<subcore_parallel>], iteration_bounds = array<i64: 1, 1>, scalar_prefetch = 0 : i64, scratch_operands = 6 : i64, tpu.core_type = #tpu.core_type<sc_vector_subcore>, window_params = [{transform_indices = #map}, {transform_indices = #map1}, {transform_indices = #map}, {transform_indices = #map}]} {
    tpu.enqueue_dma source(%arg2 : memref<16xi32, #tpu.memory_space<hbm>>) target(%arg6 : memref<16xi32, #tpu.memory_space<vmem>>) target_semaphore(%arg9 : memref<!tpu.dma_semaphore, #tpu.memory_space<semaphore_mem>>)
    tpu.enqueue_dma source(%arg4 : memref<256xf32, #tpu.memory_space<hbm>>) target(%arg8 : memref<256xf32, #tpu.memory_space<vmem>>) target_semaphore(%arg10 : memref<!tpu.dma_semaphore, #tpu.memory_space<semaphore_mem>>)
    tpu.wait_dma2 semaphore(%arg9 : memref<!tpu.dma_semaphore, #tpu.memory_space<semaphore_mem>>) src(%arg2 : memref<16xi32, #tpu.memory_space<hbm>>) dst(%arg6 : memref<16xi32, #tpu.memory_space<vmem>>)
    %dma_start3A = arith.constant 0 : i32
    %dma_start3A_0 = arith.constant 0 : i32
    %dma_start3A_1 = tpu.memref_slice %arg3[%dma_start3A, %dma_start3A_0] : memref<8192x256xf32, #tpu.memory_space<hbm>> -> memref<8192x256xf32, #tpu.memory_space<hbm>>
    tpu.enqueue_indirect_dma source(%dma_start3A_1 : memref<8192x256xf32, #tpu.memory_space<hbm>>) target(%arg7 : memref<16x256xf32, #tpu.memory_space<vmem>>) offsets(%arg6 : memref<16xi32, #tpu.memory_space<vmem>>) semaphore(%arg11 : memref<!tpu.dma_semaphore, #tpu.memory_space<semaphore_mem>>)
    tpu.wait_dma2 semaphore(%arg10 : memref<!tpu.dma_semaphore, #tpu.memory_space<semaphore_mem>>) src(%arg4 : memref<256xf32, #tpu.memory_space<hbm>>) dst(%arg8 : memref<256xf32, #tpu.memory_space<vmem>>)
    %dma_wait3A = arith.constant 0 : i32
    %dma_wait3A_2 = arith.constant 0 : i32
    %dma_wait3A_3 = tpu.memref_slice %arg3[%dma_wait3A, %dma_wait3A_2] : memref<8192x256xf32, #tpu.memory_space<hbm>> -> memref<8192x256xf32, #tpu.memory_space<hbm>>
    tpu.wait_indirect_dma semaphore(%arg11 : memref<!tpu.dma_semaphore, #tpu.memory_space<semaphore_mem>>) src(%dma_wait3A_3 : memref<8192x256xf32, #tpu.memory_space<hbm>>) dst(%arg7 : memref<16x256xf32, #tpu.memory_space<vmem>>)
    %get3A = arith.constant 0 : index
    %get3A_4 = tpu.vector_load %arg8[%get3A] {strides = array<i32>} : memref<256xf32, #tpu.memory_space<vmem>>, vector<16xf32>,
    %get3A_5 = vector.shape_cast %get3A_4 : vector<16xf32> to vector<16xf32>
    %get3A_6 = arith.constant 0 : i32
    %get3A_7 = arith.index_cast %get3A_6 : i32 to index
    %get3A_8 = arith.constant 0 : index
    %get3A_9 = tpu.vector_load %arg7[%get3A_7, %get3A_8] {strides = array<i32>} : memref<16x256xf32, #tpu.memory_space<vmem>>, vector<1x16xf32>,
    %get3A_10 = vector.shape_cast %get3A_9 : vector<1x16xf32> to vector<16xf32>
    %add3A = arith.addf %get3A_5, %get3A_10 : vector<16xf32>
    %get3A_11 = arith.constant 1 : i32
    %get3A_12 = arith.index_cast %get3A_11 : i32 to index
    %get3A_13 = arith.constant 0 : index
    %get3A_14 = tpu.vector_load %arg7[%get3A_12, %get3A_13] {strides = array<i32>} : memref<16x256xf32, #tpu.memory_space<vmem>>, vector<1x16xf32>,
    %get3A_15 = vector.shape_cast %get3A_14 : vector<1x16xf32> to vector<16xf32>
    %add3A_16 = arith.addf %add3A, %get3A_15 : vector<16xf32>
    %get3A_17 = arith.constant 2 : i32
    %get3A_18 = arith.index_cast %get3A_17 : i32 to index
    %get3A_19 = arith.constant 0 : index
    %get3A_20 = tpu.vector_load %arg7[%get3A_18, %get3A_19] {strides = array<i32>} : memref<16x256xf32, #tpu.memory_space<vmem>>, vector<1x16xf32>,
    %get3A_21 = vector.shape_cast %get3A_20 : vector<1x16xf32> to vector<16xf32>
    %add3A_22 = arith.addf %add3A_16, %get3A_21 : vector<16xf32>
    %get3A_23 = arith.constant 3 : i32
    %get3A_24 = arith.index_cast %get3A_23 : i32 to index
    %get3A_25 = arith.constant 0 : index
    %get3A_26 = tpu.vector_load %arg7[%get3A_24, %get3A_25] {strides = array<i32>} : memref<16x256xf32, #tpu.memory_space<vmem>>, vector<1x16xf32>,
    %get3A_27 = vector.shape_cast %get3A_26 : vector<1x16xf32> to vector<16xf32>
    %add3A_28 = arith.addf %add3A_22, %get3A_27 : vector<16xf32>
    %get3A_29 = arith.constant 4 : i32
    %get3A_30 = arith.index_cast %get3A_29 : i32 to index
    %get3A_31 = arith.constant 0 : index
    %get3A_32 = tpu.vector_load %arg7[%get3A_30, %get3A_31] {strides = array<i32>} : memref<16x256xf32, #tpu.memory_space<vmem>>, vector<1x16xf32>,
    %get3A_33 = vector.shape_cast %get3A_32 : vector<1x16xf32> to vector<16xf32>
    %add3A_34 = arith.addf %add3A_28, %get3A_33 : vector<16xf32>
    %get3A_35 = arith.constant 5 : i32
    %get3A_36 = arith.index_cast %get3A_35 : i32 to index
    %get3A_37 = arith.constant 0 : index
    %get3A_38 = tpu.vector_load %arg7[%get3A_36, %get3A_37] {strides = array<i32>} : memref<16x256xf32, #tpu.memory_space<vmem>>, vector<1x16xf32>,
    %get3A_39 = vector.shape_cast %get3A_38 : vector<1x16xf32> to vector<16xf32>
    %add3A_40 = arith.addf %add3A_34, %get3A_39 : vector<16xf32>
    %get3A_41 = arith.constant 6 : i32
    %get3A_42 = arith.index_cast %get3A_41 : i32 to index
    %get3A_43 = arith.constant 0 : index
    %get3A_44 = tpu.vector_load %arg7[%get3A_42, %get3A_43] {strides = array<i32>} : memref<16x256xf32, #tpu.memory_space<vmem>>, vector<1x16xf32>,
    %get3A_45 = vector.shape_cast %get3A_44 : vector<1x16xf32> to vector<16xf32>
    %add3A_46 = arith.addf %add3A_40, %get3A_45 : vector<16xf32>
    %get3A_47 = arith.constant 7 : i32
    %get3A_48 = arith.index_cast %get3A_47 : i32 to index
    %get3A_49 = arith.constant 0 : index
    %get3A_50 = tpu.vector_load %arg7[%get3A_48, %get3A_49] {strides = array<i32>} : memref<16x256xf32, #tpu.memory_space<vmem>>, vector<1x16xf32>,
    %get3A_51 = vector.shape_cast %get3A_50 : vector<1x16xf32> to vector<16xf32>
    %add3A_52 = arith.addf %add3A_46, %get3A_51 : vector<16xf32>
    %get3A_53 = arith.constant 8 : i32
    %get3A_54 = arith.index_cast %get3A_53 : i32 to index
    %get3A_55 = arith.constant 0 : index
    %get3A_56 = tpu.vector_load %arg7[%get3A_54, %get3A_55] {strides = array<i32>} : memref<16x256xf32, #tpu.memory_space<vmem>>, vector<1x16xf32>,
    %get3A_57 = vector.shape_cast %get3A_56 : vector<1x16xf32> to vector<16xf32>
    %add3A_58 = arith.addf %add3A_52, %get3A_57 : vector<16xf32>
    %get3A_59 = arith.constant 9 : i32
    %get3A_60 = arith.index_cast %get3A_59 : i32 to index
    %get3A_61 = arith.constant 0 : index
    %get3A_62 = tpu.vector_load %arg7[%get3A_60, %get3A_61] {strides = array<i32>} : memref<16x256xf32, #tpu.memory_space<vmem>>, vector<1x16xf32>,
    %get3A_63 = vector.shape_cast %get3A_62 : vector<1x16xf32> to vector<16xf32>
    %add3A_64 = arith.addf %add3A_58, %get3A_63 : vector<16xf32>
    %get3A_65 = arith.constant 10 : i32
    %get3A_66 = arith.index_cast %get3A_65 : i32 to index
    %get3A_67 = arith.constant 0 : index
    %get3A_68 = tpu.vector_load %arg7[%get3A_66, %get3A_67] {strides = array<i32>} : memref<16x256xf32, #tpu.memory_space<vmem>>, vector<1x16xf32>,
    %get3A_69 = vector.shape_cast %get3A_68 : vector<1x16xf32> to vector<16xf32>
    %add3A_70 = arith.addf %add3A_64, %get3A_69 : vector<16xf32>
    %get3A_71 = arith.constant 11 : i32
    %get3A_72 = arith.index_cast %get3A_71 : i32 to index
    %get3A_73 = arith.constant 0 : index
    %get3A_74 = tpu.vector_load %arg7[%get3A_72, %get3A_73] {strides = array<i32>} : memref<16x256xf32, #tpu.memory_space<vmem>>, vector<1x16xf32>,
    %get3A_75 = vector.shape_cast %get3A_74 : vector<1x16xf32> to vector<16xf32>
    %add3A_76 = arith.addf %add3A_70, %get3A_75 : vector<16xf32>
    %get3A_77 = arith.constant 12 : i32
    %get3A_78 = arith.index_cast %get3A_77 : i32 to index
    %get3A_79 = arith.constant 0 : index
    %get3A_80 = tpu.vector_load %arg7[%get3A_78, %get3A_79] {strides = array<i32>} : memref<16x256xf32, #tpu.memory_space<vmem>>, vector<1x16xf32>,
    %get3A_81 = vector.shape_cast %get3A_80 : vector<1x16xf32> to vector<16xf32>
    %add3A_82 = arith.addf %add3A_76, %get3A_81 : vector<16xf32>
    %get3A_83 = arith.constant 13 : i32
    %get3A_84 = arith.index_cast %get3A_83 : i32 to index
    %get3A_85 = arith.constant 0 : index
    %get3A_86 = tpu.vector_load %arg7[%get3A_84, %get3A_85] {strides = array<i32>} : memref<16x256xf32, #tpu.memory_space<vmem>>, vector<1x16xf32>,
    %get3A_87 = vector.shape_cast %get3A_86 : vector<1x16xf32> to vector<16xf32>
    %add3A_88 = arith.addf %add3A_82, %get3A_87 : vector<16xf32>
    %get3A_89 = arith.constant 14 : i32
    %get3A_90 = arith.index_cast %get3A_89 : i32 to index
    %get3A_91 = arith.constant 0 : index
    %get3A_92 = tpu.vector_load %arg7[%get3A_90, %get3A_91] {strides = array<i32>} : memref<16x256xf32, #tpu.memory_space<vmem>>, vector<1x16xf32>,
    %get3A_93 = vector.shape_cast %get3A_92 : vector<1x16xf32> to vector<16xf32>
    %add3A_94 = arith.addf %add3A_88, %get3A_93 : vector<16xf32>
    %get3A_95 = arith.constant 15 : i32
    %get3A_96 = arith.index_cast %get3A_95 : i32 to index
    %get3A_97 = arith.constant 0 : index
    %get3A_98 = tpu.vector_load %arg7[%get3A_96, %get3A_97] {strides = array<i32>} : memref<16x256xf32, #tpu.memory_space<vmem>>, vector<1x16xf32>,
    %get3A_99 = vector.shape_cast %get3A_98 : vector<1x16xf32> to vector<16xf32>
    %add3A_100 = arith.addf %add3A_94, %get3A_99 : vector<16xf32>
    %swap3A = arith.constant 0 : index
    %swap3A_101 = tpu.vector_load %arg8[%swap3A] {strides = array<i32>} : memref<256xf32, #tpu.memory_space<vmem>>, vector<16xf32>,
    %swap3A_102 = vector.shape_cast %swap3A_101 : vector<16xf32> to vector<16xf32>
    %swap3A_103 = vector.shape_cast %add3A_100 : vector<16xf32> to vector<16xf32>
    tpu.vector_store %arg8[%swap3A], %swap3A_103 {strides = array<i32>} : memref<256xf32, #tpu.memory_space<vmem>>, vector<16xf32>,
    %get3A_104 = arith.constant 16 : index
    %get3A_105 = tpu.vector_load %arg8[%get3A_104] {strides = array<i32>} : memref<256xf32, #tpu.memory_space<vmem>>, vector<16xf32>,
    %get3A_106 = vector.shape_cast %get3A_105 : vector<16xf32> to vector<16xf32>
    %get3A_107 = arith.constant 0 : i32
    %get3A_108 = arith.index_cast %get3A_107 : i32 to index
    %get3A_109 = arith.constant 16 : index
    %get3A_110 = tpu.vector_load %arg7[%get3A_108, %get3A_109] {strides = array<i32>} : memref<16x256xf32, #tpu.memory_space<vmem>>, vector<1x16xf32>,
    %get3A_111 = vector.shape_cast %get3A_110 : vector<1x16xf32> to vector<16xf32>
    %add3A_112 = arith.addf %get3A_106, %get3A_111 : vector<16xf32>
    %get3A_113 = arith.constant 1 : i32
    %get3A_114 = arith.index_cast %get3A_113 : i32 to index
    %get3A_115 = arith.constant 16 : index
    %get3A_116 = tpu.vector_load %arg7[%get3A_114, %get3A_115] {strides = array<i32>} : memref<16x256xf32, #tpu.memory_space<vmem>>, vector<1x16xf32>,
    %get3A_117 = vector.shape_cast %get3A_116 : vector<1x16xf32> to vector<16xf32>
    %add3A_118 = arith.addf %add3A_112, %get3A_117 : vector<16xf32>
    %get3A_119 = arith.constant 2 : i32
    %get3A_120 = arith.index_cast %get3A_119 : i32 to index
    %get3A_121 = arith.constant 16 : index
    %get3A_122 = tpu.vector_load %arg7[%get3A_120, %get3A_121] {strides = array<i32>} : memref<16x256xf32, #tpu.memory_space<vmem>>, vector<1x16xf32>,
    %get3A_123 = vector.shape_cast %get3A_122 : vector<1x16xf32> to vector<16xf32>
    %add3A_124 = arith.addf %add3A_118, %get3A_123 : vector<16xf32>
    %get3A_125 = arith.constant 3 : i32
    %get3A_126 = arith.index_cast %get3A_125 : i32 to index
    %get3A_127 = arith.constant 16 : index
    %get3A_128 = tpu.vector_load %arg7[%get3A_126, %get3A_127] {strides = array<i32>} : memref<16x256xf32, #tpu.memory_space<vmem>>, vector<1x16xf32>,
    %get3A_129 = vector.shape_cast %get3A_128 : vector<1x16xf32> to vector<16xf32>
    %add3A_130 = arith.addf %add3A_124, %get3A_129 : vector<16xf32>
    %get3A_131 = arith.constant 4 : i32
    %get3A_132 = arith.index_cast %get3A_131 : i32 to index
    %get3A_133 = arith.constant 16 : index
    %get3A_134 = tpu.vector_load %arg7[%get3A_132, %get3A_133] {strides = array<i32>} : memref<16x256xf32, #tpu.memory_space<vmem>>, vector<1x16xf32>,
    %get3A_135 = vector.shape_cast %get3A_134 : vector<1x16xf32> to vector<16xf32>
    %add3A_136 = arith.addf %add3A_130, %get3A_135 : vector<16xf32>
    %get3A_137 = arith.constant 5 : i32
    %get3A_138 = arith.index_cast %get3A_137 : i32 to index
    %get3A_139 = arith.constant 16 : index
    %get3A_140 = tpu.vector_load %arg7[%get3A_138, %get3A_139] {strides = array<i32>} : memref<16x256xf32, #tpu.memory_space<vmem>>, vector<1x16xf32>,
    %get3A_141 = vector.shape_cast %get3A_140 : vector<1x16xf32> to vector<16xf32>
    %add3A_142 = arith.addf %add3A_136, %get3A_141 : vector<16xf32>
    %get3A_143 = arith.constant 6 : i32
    %get3A_144 = arith.index_cast %get3A_143 : i32 to index
    %get3A_145 = arith.constant 16 : index
    %get3A_146 = tpu.vector_load %arg7[%get3A_144, %get3A_145] {strides = array<i32>} : memref<16x256xf32, #tpu.memory_space<vmem>>, vector<1x16xf32>,
    %get3A_147 = vector.shape_cast %get3A_146 : vector<1x16xf32> to vector<16xf32>
    %add3A_148 = arith.addf %add3A_142, %get3A_147 : vector<16xf32>
    %get3A_149 = arith.constant 7 : i32
    %get3A_150 = arith.index_cast %get3A_149 : i32 to index
    %get3A_151 = arith.constant 16 : index
    %get3A_152 = tpu.vector_load %arg7[%get3A_150, %get3A_151] {strides = array<i32>} : memref<16x256xf32, #tpu.memory_space<vmem>>, vector<1x16xf32>,
    %get3A_153 = vector.shape_cast %get3A_152 : vector<1x16xf32> to vector<16xf32>
    %add3A_154 = arith.addf %add3A_148, %get3A_153 : vector<16xf32>
    %get3A_155 = arith.constant 8 : i32
    %get3A_156 = arith.index_cast %get3A_155 : i32 to index
    %get3A_157 = arith.constant 16 : index
    %get3A_158 = tpu.vector_load %arg7[%get3A_156, %get3A_157] {strides = array<i32>} : memref<16x256xf32, #tpu.memory_space<vmem>>, vector<1x16xf32>,
    %get3A_159 = vector.shape_cast %get3A_158 : vector<1x16xf32> to vector<16xf32>
    %add3A_160 = arith.addf %add3A_154, %get3A_159 : vector<16xf32>
    %get3A_161 = arith.constant 9 : i32
    %get3A_162 = arith.index_cast %get3A_161 : i32 to index
    %get3A_163 = arith.constant 16 : index
    %get3A_164 = tpu.vector_load %arg7[%get3A_162, %get3A_163] {strides = array<i32>} : memref<16x256xf32, #tpu.memory_space<vmem>>, vector<1x16xf32>,
    %get3A_165 = vector.shape_cast %get3A_164 : vector<1x16xf32> to vector<16xf32>
    %add3A_166 = arith.addf %add3A_160, %get3A_165 : vector<16xf32>
    %get3A_167 = arith.constant 10 : i32
    %get3A_168 = arith.index_cast %get3A_167 : i32 to index
    %get3A_169 = arith.constant 16 : index
    %get3A_170 = tpu.vector_load %arg7[%get3A_168, %get3A_169] {strides = array<i32>} : memref<16x256xf32, #tpu.memory_space<vmem>>, vector<1x16xf32>,
    %get3A_171 = vector.shape_cast %get3A_170 : vector<1x16xf32> to vector<16xf32>
    %add3A_172 = arith.addf %add3A_166, %get3A_171 : vector<16xf32>
    %get3A_173 = arith.constant 11 : i32
    %get3A_174 = arith.index_cast %get3A_173 : i32 to index
    %get3A_175 = arith.constant 16 : index
    %get3A_176 = tpu.vector_load %arg7[%get3A_174, %get3A_175] {strides = array<i32>} : memref<16x256xf32, #tpu.memory_space<vmem>>, vector<1x16xf32>,
    %get3A_177 = vector.shape_cast %get3A_176 : vector<1x16xf32> to vector<16xf32>
    %add3A_178 = arith.addf %add3A_172, %get3A_177 : vector<16xf32>
    %get3A_179 = arith.constant 12 : i32
    %get3A_180 = arith.index_cast %get3A_179 : i32 to index
    %get3A_181 = arith.constant 16 : index
    %get3A_182 = tpu.vector_load %arg7[%get3A_180, %get3A_181] {strides = array<i32>} : memref<16x256xf32, #tpu.memory_space<vmem>>, vector<1x16xf32>,
    %get3A_183 = vector.shape_cast %get3A_182 : vector<1x16xf32> to vector<16xf32>
    %add3A_184 = arith.addf %add3A_178, %get3A_183 : vector<16xf32>
    %get3A_185 = arith.constant 13 : i32
    %get3A_186 = arith.index_cast %get3A_185 : i32 to index
    %get3A_187 = arith.constant 16 : index
    %get3A_188 = tpu.vector_load %arg7[%get3A_186, %get3A_187] {strides = array<i32>} : memref<16x256xf32, #tpu.memory_space<vmem>>, vector<1x16xf32>,
    %get3A_189 = vector.shape_cast %get3A_188 : vector<1x16xf32> to vector<16xf32>
    %add3A_190 = arith.addf %add3A_184, %get3A_189 : vector<16xf32>
    %get3A_191 = arith.constant 14 : i32
    %get3A_192 = arith.index_cast %get3A_191 : i32 to index
    %get3A_193 = arith.constant 16 : index
    %get3A_194 = tpu.vector_load %arg7[%get3A_192, %get3A_193] {strides = array<i32>} : memref<16x256xf32, #tpu.memory_space<vmem>>, vector<1x16xf32>,
    %get3A_195 = vector.shape_cast %get3A_194 : vector<1x16xf32> to vector<16xf32>
    %add3A_196 = arith.addf %add3A_190, %get3A_195 : vector<16xf32>
    %get3A_197 = arith.constant 15 : i32
    %get3A_198 = arith.index_cast %get3A_197 : i32 to index
    %get3A_199 = arith.constant 16 : index
    %get3A_200 = tpu.vector_load %arg7[%get3A_198, %get3A_199] {strides = array<i32>} : memref<16x256xf32, #tpu.memory_space<vmem>>, vector<1x16xf32>,
    %get3A_201 = vector.shape_cast %get3A_200 : vector<1x16xf32> to vector<16xf32>
    %add3A_202 = arith.addf %add3A_196, %get3A_201 : vector<16xf32>
    %swap3A_203 = arith.constant 16 : index
    %swap3A_204 = tpu.vector_load %arg8[%swap3A_203] {strides = array<i32>} : memref<256xf32, #tpu.memory_space<vmem>>, vector<16xf32>,
    %swap3A_205 = vector.shape_cast %swap3A_204 : vector<16xf32> to vector<16xf32>
    %swap3A_206 = vector.shape_cast %add3A_202 : vector<16xf32> to vector<16xf32>
    tpu.vector_store %arg8[%swap3A_203], %swap3A_206 {strides = array<i32>} : memref<256xf32, #tpu.memory_space<vmem>>, vector<16xf32>,
    %get3A_207 = arith.constant 32 : index
    %get3A_208 = tpu.vector_load %arg8[%get3A_207] {strides = array<i32>} : memref<256xf32, #tpu.memory_space<vmem>>, vector<16xf32>,
    %get3A_209 = vector.shape_cast %get3A_208 : vector<16xf32> to vector<16xf32>
    %get3A_210 = arith.constant 0 : i32
    %get3A_211 = arith.index_cast %get3A_210 : i32 to index
    %get3A_212 = arith.constant 32 : index
    %get3A_213 = tpu.vector_load %arg7[%get3A_211, %get3A_212] {strides = array<i32>} : memref<16x256xf32, #tpu.memory_space<vmem>>, vector<1x16xf32>,
    %get3A_214 = vector.shape_cast %get3A_213 : vector<1x16xf32> to vector<16xf32>
    %add3A_215 = arith.addf %get3A_209, %get3A_214 : vector<16xf32>
    %get3A_216 = arith.constant 1 : i32
    %get3A_217 = arith.index_cast %get3A_216 : i32 to index
    %get3A_218 = arith.constant 32 : index
    %get3A_219 = tpu.vector_load %arg7[%get3A_217, %get3A_218] {strides = array<i32>} : memref<16x256xf32, #tpu.memory_space<vmem>>, vector<1x16xf32>,
    %get3A_220 = vector.shape_cast %get3A_219 : vector<1x16xf32> to vector<16xf32>
    %add3A_221 = arith.addf %add3A_215, %get3A_220 : vector<16xf32>
    %get3A_222 = arith.constant 2 : i32
    %get3A_223 = arith.index_cast %get3A_222 : i32 to index
    %get3A_224 = arith.constant 32 : index
    %get3A_225 = tpu.vector_load %arg7[%get3A_223, %get3A_224] {strides = array<i32>} : memref<16x256xf32, #tpu.memory_space<vmem>>, vector<1x16xf32>,
    %get3A_226 = vector.shape_cast %get3A_225 : vector<1x16xf32> to vector<16xf32>
    %add3A_227 = arith.addf %add3A_221, %get3A_226 : vector<16xf32>
    %get3A_228 = arith.constant 3 : i32
    %get3A_229 = arith.index_cast %get3A_228 : i32 to index
    %get3A_230 = arith.constant 32 : index
    %get3A_231 = tpu.vector_load %arg7[%get3A_229, %get3A_230] {strides = array<i32>} : memref<16x256xf32, #tpu.memory_space<vmem>>, vector<1x16xf32>,
    %get3A_232 = vector.shape_cast %get3A_231 : vector<1x16xf32> to vector<16xf32>
    %add3A_233 = arith.addf %add3A_227, %get3A_232 : vector<16xf32>
    %get3A_234 = arith.constant 4 : i32
    %get3A_235 = arith.index_cast %get3A_234 : i32 to index
    %get3A_236 = arith.constant 32 : index
    %get3A_237 = tpu.vector_load %arg7[%get3A_235, %get3A_236] {strides = array<i32>} : memref<16x256xf32, #tpu.memory_space<vmem>>, vector<1x16xf32>,
    %get3A_238 = vector.shape_cast %get3A_237 : vector<1x16xf32> to vector<16xf32>
    %add3A_239 = arith.addf %add3A_233, %get3A_238 : vector<16xf32>
    %get3A_240 = arith.constant 5 : i32
    %get3A_241 = arith.index_cast %get3A_240 : i32 to index
    %get3A_242 = arith.constant 32 : index
    %get3A_243 = tpu.vector_load %arg7[%get3A_241, %get3A_242] {strides = array<i32>} : memref<16x256xf32, #tpu.memory_space<vmem>>, vector<1x16xf32>,
    %get3A_244 = vector.shape_cast %get3A_243 : vector<1x16xf32> to vector<16xf32>
    %add3A_245 = arith.addf %add3A_239, %get3A_244 : vector<16xf32>
    %get3A_246 = arith.constant 6 : i32
    %get3A_247 = arith.index_cast %get3A_246 : i32 to index
    %get3A_248 = arith.constant 32 : index
    %get3A_249 = tpu.vector_load %arg7[%get3A_247, %get3A_248] {strides = array<i32>} : memref<16x256xf32, #tpu.memory_space<vmem>>, vector<1x16xf32>,
    %get3A_250 = vector.shape_cast %get3A_249 : vector<1x16xf32> to vector<16xf32>
    %add3A_251 = arith.addf %add3A_245, %get3A_250 : vector<16xf32>
    %get3A_252 = arith.constant 7 : i32
    %get3A_253 = arith.index_cast %get3A_252 : i32 to index
    %get3A_254 = arith.constant 32 : index
    %get3A_255 = tpu.vector_load %arg7[%get3A_253, %get3A_254] {strides = array<i32>} : memref<16x256xf32, #tpu.memory_space<vmem>>, vector<1x16xf32>,
    %get3A_256 = vector.shape_cast %get3A_255 : vector<1x16xf32> to vector<16xf32>
    %add3A_257 = arith.addf %add3A_251, %get3A_256 : vector<16xf32>
    %get3A_258 = arith.constant 8 : i32
    %get3A_259 = arith.index_cast %get3A_258 : i32 to index
    %get3A_260 = arith.constant 32 : index
    %get3A_261 = tpu.vector_load %arg7[%get3A_259, %get3A_260] {strides = array<i32>} : memref<16x256xf32, #tpu.memory_space<vmem>>, vector<1x16xf32>,
    %get3A_262 = vector.shape_cast %get3A_261 : vector<1x16xf32> to vector<16xf32>
    %add3A_263 = arith.addf %add3A_257, %get3A_262 : vector<16xf32>
    %get3A_264 = arith.constant 9 : i32
    %get3A_265 = arith.index_cast %get3A_264 : i32 to index
    %get3A_266 = arith.constant 32 : index
    %get3A_267 = tpu.vector_load %arg7[%get3A_265, %get3A_266] {strides = array<i32>} : memref<16x256xf32, #tpu.memory_space<vmem>>, vector<1x16xf32>,
    %get3A_268 = vector.shape_cast %get3A_267 : vector<1x16xf32> to vector<16xf32>
    %add3A_269 = arith.addf %add3A_263, %get3A_268 : vector<16xf32>
    %get3A_270 = arith.constant 10 : i32
    %get3A_271 = arith.index_cast %get3A_270 : i32 to index
    %get3A_272 = arith.constant 32 : index
    %get3A_273 = tpu.vector_load %arg7[%get3A_271, %get3A_272] {strides = array<i32>} : memref<16x256xf32, #tpu.memory_space<vmem>>, vector<1x16xf32>,
    %get3A_274 = vector.shape_cast %get3A_273 : vector<1x16xf32> to vector<16xf32>
    %add3A_275 = arith.addf %add3A_269, %get3A_274 : vector<16xf32>
    %get3A_276 = arith.constant 11 : i32
    %get3A_277 = arith.index_cast %get3A_276 : i32 to index
    %get3A_278 = arith.constant 32 : index
    %get3A_279 = tpu.vector_load %arg7[%get3A_277, %get3A_278] {strides = array<i32>} : memref<16x256xf32, #tpu.memory_space<vmem>>, vector<1x16xf32>,
    %get3A_280 = vector.shape_cast %get3A_279 : vector<1x16xf32> to vector<16xf32>
    %add3A_281 = arith.addf %add3A_275, %get3A_280 : vector<16xf32>
    %get3A_282 = arith.constant 12 : i32
    %get3A_283 = arith.index_cast %get3A_282 : i32 to index
    %get3A_284 = arith.constant 32 : index
    %get3A_285 = tpu.vector_load %arg7[%get3A_283, %get3A_284] {strides = array<i32>} : memref<16x256xf32, #tpu.memory_space<vmem>>, vector<1x16xf32>,
    %get3A_286 = vector.shape_cast %get3A_285 : vector<1x16xf32> to vector<16xf32>
    %add3A_287 = arith.addf %add3A_281, %get3A_286 : vector<16xf32>
    %get3A_288 = arith.constant 13 : i32
    %get3A_289 = arith.index_cast %get3A_288 : i32 to index
    %get3A_290 = arith.constant 32 : index
    %get3A_291 = tpu.vector_load %arg7[%get3A_289, %get3A_290] {strides = array<i32>} : memref<16x256xf32, #tpu.memory_space<vmem>>, vector<1x16xf32>,
    %get3A_292 = vector.shape_cast %get3A_291 : vector<1x16xf32> to vector<16xf32>
    %add3A_293 = arith.addf %add3A_287, %get3A_292 : vector<16xf32>
    %get3A_294 = arith.constant 14 : i32
    %get3A_295 = arith.index_cast %get3A_294 : i32 to index
    %get3A_296 = arith.constant 32 : index
    %get3A_297 = tpu.vector_load %arg7[%get3A_295, %get3A_296] {strides = array<i32>} : memref<16x256xf32, #tpu.memory_space<vmem>>, vector<1x16xf32>,
    %get3A_298 = vector.shape_cast %get3A_297 : vector<1x16xf32> to vector<16xf32>
    %add3A_299 = arith.addf %add3A_293, %get3A_298 : vector<16xf32>
    %get3A_300 = arith.constant 15 : i32
    %get3A_301 = arith.index_cast %get3A_300 : i32 to index
    %get3A_302 = arith.constant 32 : index
    %get3A_303 = tpu.vector_load %arg7[%get3A_301, %get3A_302] {strides = array<i32>} : memref<16x256xf32, #tpu.memory_space<vmem>>, vector<1x16xf32>,
    %get3A_304 = vector.shape_cast %get3A_303 : vector<1x16xf32> to vector<16xf32>
    %add3A_305 = arith.addf %add3A_299, %get3A_304 : vector<16xf32>
    %swap3A_306 = arith.constant 32 : index
    %swap3A_307 = tpu.vector_load %arg8[%swap3A_306] {strides = array<i32>} : memref<256xf32, #tpu.memory_space<vmem>>, vector<16xf32>,
    %swap3A_308 = vector.shape_cast %swap3A_307 : vector<16xf32> to vector<16xf32>
    %swap3A_309 = vector.shape_cast %add3A_305 : vector<16xf32> to vector<16xf32>
    tpu.vector_store %arg8[%swap3A_306], %swap3A_309 {strides = array<i32>} : memref<256xf32, #tpu.memory_space<vmem>>, vector<16xf32>,
    %get3A_310 = arith.constant 48 : index
    %get3A_311 = tpu.vector_load %arg8[%get3A_310] {strides = array<i32>} : memref<256xf32, #tpu.memory_space<vmem>>, vector<16xf32>,
    %get3A_312 = vector.shape_cast %get3A_311 : vector<16xf32> to vector<16xf32>
    %get3A_313 = arith.constant 0 : i32
    %get3A_314 = arith.index_cast %get3A_313 : i32 to index
    %get3A_315 = arith.constant 48 : index
    %get3A_316 = tpu.vector_load %arg7[%get3A_314, %get3A_315] {strides = array<i32>} : memref<16x256xf32, #tpu.memory_space<vmem>>, vector<1x16xf32>,
    %get3A_317 = vector.shape_cast %get3A_316 : vector<1x16xf32> to vector<16xf32>
    %add3A_318 = arith.addf %get3A_312, %get3A_317 : vector<16xf32>
    %get3A_319 = arith.constant 1 : i32
    %get3A_320 = arith.index_cast %get3A_319 : i32 to index
    %get3A_321 = arith.constant 48 : index
    %get3A_322 = tpu.vector_load %arg7[%get3A_320, %get3A_321] {strides = array<i32>} : memref<16x256xf32, #tpu.memory_space<vmem>>, vector<1x16xf32>,
    %get3A_323 = vector.shape_cast %get3A_322 : vector<1x16xf32> to vector<16xf32>
    %add3A_324 = arith.addf %add3A_318, %get3A_323 : vector<16xf32>
    %get3A_325 = arith.constant 2 : i32
    %get3A_326 = arith.index_cast %get3A_325 : i32 to index
    %get3A_327 = arith.constant 48 : index
    %get3A_328 = tpu.vector_load %arg7[%get3A_326, %get3A_327] {strides = array<i32>} : memref<16x256xf32, #tpu.memory_space<vmem>>, vector<1x16xf32>,
    %get3A_329 = vector.shape_cast %get3A_328 : vector<1x16xf32> to vector<16xf32>
    %add3A_330 = arith.addf %add3A_324, %get3A_329 : vector<16xf32>
    %get3A_331 = arith.constant 3 : i32
    %get3A_332 = arith.index_cast %get3A_331 : i32 to index
    %get3A_333 = arith.constant 48 : index
    %get3A_334 = tpu.vector_load %arg7[%get3A_332, %get3A_333] {strides = array<i32>} : memref<16x256xf32, #tpu.memory_space<vmem>>, vector<1x16xf32>,
    %get3A_335 = vector.shape_cast %get3A_334 : vector<1x16xf32> to vector<16xf32>
    %add3A_336 = arith.addf %add3A_330, %get3A_335 : vector<16xf32>
    %get3A_337 = arith.constant 4 : i32
    %get3A_338 = arith.index_cast %get3A_337 : i32 to index
    %get3A_339 = arith.constant 48 : index
    %get3A_340 = tpu.vector_load %arg7[%get3A_338, %get3A_339] {strides = array<i32>} : memref<16x256xf32, #tpu.memory_space<vmem>>, vector<1x16xf32>,
    %get3A_341 = vector.shape_cast %get3A_340 : vector<1x16xf32> to vector<16xf32>
    %add3A_342 = arith.addf %add3A_336, %get3A_341 : vector<16xf32>
    %get3A_343 = arith.constant 5 : i32
    %get3A_344 = arith.index_cast %get3A_343 : i32 to index
    %get3A_345 = arith.constant 48 : index
    %get3A_346 = tpu.vector_load %arg7[%get3A_344, %get3A_345] {strides = array<i32>} : memref<16x256xf32, #tpu.memory_space<vmem>>, vector<1x16xf32>,
    %get3A_347 = vector.shape_cast %get3A_346 : vector<1x16xf32> to vector<16xf32>
    %add3A_348 = arith.addf %add3A_342, %get3A_347 : vector<16xf32>
    %get3A_349 = arith.constant 6 : i32
    %get3A_350 = arith.index_cast %get3A_349 : i32 to index
    %get3A_351 = arith.constant 48 : index
    %get3A_352 = tpu.vector_load %arg7[%get3A_350, %get3A_351] {strides = array<i32>} : memref<16x256xf32, #tpu.memory_space<vmem>>, vector<1x16xf32>,
    %get3A_353 = vector.shape_cast %get3A_352 : vector<1x16xf32> to vector<16xf32>
    %add3A_354 = arith.addf %add3A_348, %get3A_353 : vector<16xf32>
    %get3A_355 = arith.constant 7 : i32
    %get3A_356 = arith.index_cast %get3A_355 : i32 to index
    %get3A_357 = arith.constant 48 : index
    %get3A_358 = tpu.vector_load %arg7[%get3A_356, %get3A_357] {strides = array<i32>} : memref<16x256xf32, #tpu.memory_space<vmem>>, vector<1x16xf32>,
    %get3A_359 = vector.shape_cast %get3A_358 : vector<1x16xf32> to vector<16xf32>
    %add3A_360 = arith.addf %add3A_354, %get3A_359 : vector<16xf32>
    %get3A_361 = arith.constant 8 : i32
    %get3A_362 = arith.index_cast %get3A_361 : i32 to index
    %get3A_363 = arith.constant 48 : index
    %get3A_364 = tpu.vector_load %arg7[%get3A_362, %get3A_363] {strides = array<i32>} : memref<16x256xf32, #tpu.memory_space<vmem>>, vector<1x16xf32>,
    %get3A_365 = vector.shape_cast %get3A_364 : vector<1x16xf32> to vector<16xf32>
    %add3A_366 = arith.addf %add3A_360, %get3A_365 : vector<16xf32>
    %get3A_367 = arith.constant 9 : i32
    %get3A_368 = arith.index_cast %get3A_367 : i32 to index
    %get3A_369 = arith.constant 48 : index
    %get3A_370 = tpu.vector_load %arg7[%get3A_368, %get3A_369] {strides = array<i32>} : memref<16x256xf32, #tpu.memory_space<vmem>>, vector<1x16xf32>,
    %get3A_371 = vector.shape_cast %get3A_370 : vector<1x16xf32> to vector<16xf32>
    %add3A_372 = arith.addf %add3A_366, %get3A_371 : vector<16xf32>
    %get3A_373 = arith.constant 10 : i32
    %get3A_374 = arith.index_cast %get3A_373 : i32 to index
    %get3A_375 = arith.constant 48 : index
    %get3A_376 = tpu.vector_load %arg7[%get3A_374, %get3A_375] {strides = array<i32>} : memref<16x256xf32, #tpu.memory_space<vmem>>, vector<1x16xf32>,
    %get3A_377 = vector.shape_cast %get3A_376 : vector<1x16xf32> to vector<16xf32>
    %add3A_378 = arith.addf %add3A_372, %get3A_377 : vector<16xf32>
    %get3A_379 = arith.constant 11 : i32
    %get3A_380 = arith.index_cast %get3A_379 : i32 to index
    %get3A_381 = arith.constant 48 : index
    %get3A_382 = tpu.vector_load %arg7[%get3A_380, %get3A_381] {strides = array<i32>} : memref<16x256xf32, #tpu.memory_space<vmem>>, vector<1x16xf32>,
    %get3A_383 = vector.shape_cast %get3A_382 : vector<1x16xf32> to vector<16xf32>
    %add3A_384 = arith.addf %add3A_378, %get3A_383 : vector<16xf32>
    %get3A_385 = arith.constant 12 : i32
    %get3A_386 = arith.index_cast %get3A_385 : i32 to index
    %get3A_387 = arith.constant 48 : index
    %get3A_388 = tpu.vector_load %arg7[%get3A_386, %get3A_387] {strides = array<i32>} : memref<16x256xf32, #tpu.memory_space<vmem>>, vector<1x16xf32>,
    %get3A_389 = vector.shape_cast %get3A_388 : vector<1x16xf32> to vector<16xf32>
    %add3A_390 = arith.addf %add3A_384, %get3A_389 : vector<16xf32>
    %get3A_391 = arith.constant 13 : i32
    %get3A_392 = arith.index_cast %get3A_391 : i32 to index
    %get3A_393 = arith.constant 48 : index
    %get3A_394 = tpu.vector_load %arg7[%get3A_392, %get3A_393] {strides = array<i32>} : memref<16x256xf32, #tpu.memory_space<vmem>>, vector<1x16xf32>,
    %get3A_395 = vector.shape_cast %get3A_394 : vector<1x16xf32> to vector<16xf32>
    %add3A_396 = arith.addf %add3A_390, %get3A_395 : vector<16xf32>
    %get3A_397 = arith.constant 14 : i32
    %get3A_398 = arith.index_cast %get3A_397 : i32 to index
    %get3A_399 = arith.constant 48 : index
    %get3A_400 = tpu.vector_load %arg7[%get3A_398, %get3A_399] {strides = array<i32>} : memref<16x256xf32, #tpu.memory_space<vmem>>, vector<1x16xf32>,
    %get3A_401 = vector.shape_cast %get3A_400 : vector<1x16xf32> to vector<16xf32>
    %add3A_402 = arith.addf %add3A_396, %get3A_401 : vector<16xf32>
    %get3A_403 = arith.constant 15 : i32
    %get3A_404 = arith.index_cast %get3A_403 : i32 to index
    %get3A_405 = arith.constant 48 : index
    %get3A_406 = tpu.vector_load %arg7[%get3A_404, %get3A_405] {strides = array<i32>} : memref<16x256xf32, #tpu.memory_space<vmem>>, vector<1x16xf32>,
    %get3A_407 = vector.shape_cast %get3A_406 : vector<1x16xf32> to vector<16xf32>
    %add3A_408 = arith.addf %add3A_402, %get3A_407 : vector<16xf32>
    %swap3A_409 = arith.constant 48 : index
    %swap3A_410 = tpu.vector_load %arg8[%swap3A_409] {strides = array<i32>} : memref<256xf32, #tpu.memory_space<vmem>>, vector<16xf32>,
    %swap3A_411 = vector.shape_cast %swap3A_410 : vector<16xf32> to vector<16xf32>
    %swap3A_412 = vector.shape_cast %add3A_408 : vector<16xf32> to vector<16xf32>
    tpu.vector_store %arg8[%swap3A_409], %swap3A_412 {strides = array<i32>} : memref<256xf32, #tpu.memory_space<vmem>>, vector<16xf32>,
    %get3A_413 = arith.constant 64 : index
    %get3A_414 = tpu.vector_load %arg8[%get3A_413] {strides = array<i32>} : memref<256xf32, #tpu.memory_space<vmem>>, vector<16xf32>,
    %get3A_415 = vector.shape_cast %get3A_414 : vector<16xf32> to vector<16xf32>
    %get3A_416 = arith.constant 0 : i32
    %get3A_417 = arith.index_cast %get3A_416 : i32 to index
    %get3A_418 = arith.constant 64 : index
    %get3A_419 = tpu.vector_load %arg7[%get3A_417, %get3A_418] {strides = array<i32>} : memref<16x256xf32, #tpu.memory_space<vmem>>, vector<1x16xf32>,
    %get3A_420 = vector.shape_cast %get3A_419 : vector<1x16xf32> to vector<16xf32>
    %add3A_421 = arith.addf %get3A_415, %get3A_420 : vector<16xf32>
    %get3A_422 = arith.constant 1 : i32
    %get3A_423 = arith.index_cast %get3A_422 : i32 to index
    %get3A_424 = arith.constant 64 : index
    %get3A_425 = tpu.vector_load %arg7[%get3A_423, %get3A_424] {strides = array<i32>} : memref<16x256xf32, #tpu.memory_space<vmem>>, vector<1x16xf32>,
    %get3A_426 = vector.shape_cast %get3A_425 : vector<1x16xf32> to vector<16xf32>
    %add3A_427 = arith.addf %add3A_421, %get3A_426 : vector<16xf32>
    %get3A_428 = arith.constant 2 : i32
    %get3A_429 = arith.index_cast %get3A_428 : i32 to index
    %get3A_430 = arith.constant 64 : index
    %get3A_431 = tpu.vector_load %arg7[%get3A_429, %get3A_430] {strides = array<i32>} : memref<16x256xf32, #tpu.memory_space<vmem>>, vector<1x16xf32>,
    %get3A_432 = vector.shape_cast %get3A_431 : vector<1x16xf32> to vector<16xf32>
    %add3A_433 = arith.addf %add3A_427, %get3A_432 : vector<16xf32>
    %get3A_434 = arith.constant 3 : i32
    %get3A_435 = arith.index_cast %get3A_434 : i32 to index
    %get3A_436 = arith.constant 64 : index
    %get3A_437 = tpu.vector_load %arg7[%get3A_435, %get3A_436] {strides = array<i32>} : memref<16x256xf32, #tpu.memory_space<vmem>>, vector<1x16xf32>,
    %get3A_438 = vector.shape_cast %get3A_437 : vector<1x16xf32> to vector<16xf32>
    %add3A_439 = arith.addf %add3A_433, %get3A_438 : vector<16xf32>
    %get3A_440 = arith.constant 4 : i32
    %get3A_441 = arith.index_cast %get3A_440 : i32 to index
    %get3A_442 = arith.constant 64 : index
    %get3A_443 = tpu.vector_load %arg7[%get3A_441, %get3A_442] {strides = array<i32>} : memref<16x256xf32, #tpu.memory_space<vmem>>, vector<1x16xf32>,
    %get3A_444 = vector.shape_cast %get3A_443 : vector<1x16xf32> to vector<16xf32>
    %add3A_445 = arith.addf %add3A_439, %get3A_444 : vector<16xf32>
    %get3A_446 = arith.constant 5 : i32
    %get3A_447 = arith.index_cast %get3A_446 : i32 to index
    %get3A_448 = arith.constant 64 : index
    %get3A_449 = tpu.vector_load %arg7[%get3A_447, %get3A_448] {strides = array<i32>} : memref<16x256xf32, #tpu.memory_space<vmem>>, vector<1x16xf32>,
    %get3A_450 = vector.shape_cast %get3A_449 : vector<1x16xf32> to vector<16xf32>
    %add3A_451 = arith.addf %add3A_445, %get3A_450 : vector<16xf32>
    %get3A_452 = arith.constant 6 : i32
    %get3A_453 = arith.index_cast %get3A_452 : i32 to index
    %get3A_454 = arith.constant 64 : index
    %get3A_455 = tpu.vector_load %arg7[%get3A_453, %get3A_454] {strides = array<i32>} : memref<16x256xf32, #tpu.memory_space<vmem>>, vector<1x16xf32>,
    %get3A_456 = vector.shape_cast %get3A_455 : vector<1x16xf32> to vector<16xf32>
    %add3A_457 = arith.addf %add3A_451, %get3A_456 : vector<16xf32>
    %get3A_458 = arith.constant 7 : i32
    %get3A_459 = arith.index_cast %get3A_458 : i32 to index
    %get3A_460 = arith.constant 64 : index
    %get3A_461 = tpu.vector_load %arg7[%get3A_459, %get3A_460] {strides = array<i32>} : memref<16x256xf32, #tpu.memory_space<vmem>>, vector<1x16xf32>,
    %get3A_462 = vector.shape_cast %get3A_461 : vector<1x16xf32> to vector<16xf32>
    %add3A_463 = arith.addf %add3A_457, %get3A_462 : vector<16xf32>
    %get3A_464 = arith.constant 8 : i32
    %get3A_465 = arith.index_cast %get3A_464 : i32 to index
    %get3A_466 = arith.constant 64 : index
    %get3A_467 = tpu.vector_load %arg7[%get3A_465, %get3A_466] {strides = array<i32>} : memref<16x256xf32, #tpu.memory_space<vmem>>, vector<1x16xf32>,
    %get3A_468 = vector.shape_cast %get3A_467 : vector<1x16xf32> to vector<16xf32>
    %add3A_469 = arith.addf %add3A_463, %get3A_468 : vector<16xf32>
    %get3A_470 = arith.constant 9 : i32
    %get3A_471 = arith.index_cast %get3A_470 : i32 to index
    %get3A_472 = arith.constant 64 : index
    %get3A_473 = tpu.vector_load %arg7[%get3A_471, %get3A_472] {strides = array<i32>} : memref<16x256xf32, #tpu.memory_space<vmem>>, vector<1x16xf32>,
    %get3A_474 = vector.shape_cast %get3A_473 : vector<1x16xf32> to vector<16xf32>
    %add3A_475 = arith.addf %add3A_469, %get3A_474 : vector<16xf32>
    %get3A_476 = arith.constant 10 : i32
    %get3A_477 = arith.index_cast %get3A_476 : i32 to index
    %get3A_478 = arith.constant 64 : index
    %get3A_479 = tpu.vector_load %arg7[%get3A_477, %get3A_478] {strides = array<i32>} : memref<16x256xf32, #tpu.memory_space<vmem>>, vector<1x16xf32>,
    %get3A_480 = vector.shape_cast %get3A_479 : vector<1x16xf32> to vector<16xf32>
    %add3A_481 = arith.addf %add3A_475, %get3A_480 : vector<16xf32>
    %get3A_482 = arith.constant 11 : i32
    %get3A_483 = arith.index_cast %get3A_482 : i32 to index
    %get3A_484 = arith.constant 64 : index
    %get3A_485 = tpu.vector_load %arg7[%get3A_483, %get3A_484] {strides = array<i32>} : memref<16x256xf32, #tpu.memory_space<vmem>>, vector<1x16xf32>,
    %get3A_486 = vector.shape_cast %get3A_485 : vector<1x16xf32> to vector<16xf32>
    %add3A_487 = arith.addf %add3A_481, %get3A_486 : vector<16xf32>
    %get3A_488 = arith.constant 12 : i32
    %get3A_489 = arith.index_cast %get3A_488 : i32 to index
    %get3A_490 = arith.constant 64 : index
    %get3A_491 = tpu.vector_load %arg7[%get3A_489, %get3A_490] {strides = array<i32>} : memref<16x256xf32, #tpu.memory_space<vmem>>, vector<1x16xf32>,
    %get3A_492 = vector.shape_cast %get3A_491 : vector<1x16xf32> to vector<16xf32>
    %add3A_493 = arith.addf %add3A_487, %get3A_492 : vector<16xf32>
    %get3A_494 = arith.constant 13 : i32
    %get3A_495 = arith.index_cast %get3A_494 : i32 to index
    %get3A_496 = arith.constant 64 : index
    %get3A_497 = tpu.vector_load %arg7[%get3A_495, %get3A_496] {strides = array<i32>} : memref<16x256xf32, #tpu.memory_space<vmem>>, vector<1x16xf32>,
    %get3A_498 = vector.shape_cast %get3A_497 : vector<1x16xf32> to vector<16xf32>
    %add3A_499 = arith.addf %add3A_493, %get3A_498 : vector<16xf32>
    %get3A_500 = arith.constant 14 : i32
    %get3A_501 = arith.index_cast %get3A_500 : i32 to index
    %get3A_502 = arith.constant 64 : index
    %get3A_503 = tpu.vector_load %arg7[%get3A_501, %get3A_502] {strides = array<i32>} : memref<16x256xf32, #tpu.memory_space<vmem>>, vector<1x16xf32>,
    %get3A_504 = vector.shape_cast %get3A_503 : vector<1x16xf32> to vector<16xf32>
    %add3A_505 = arith.addf %add3A_499, %get3A_504 : vector<16xf32>
    %get3A_506 = arith.constant 15 : i32
    %get3A_507 = arith.index_cast %get3A_506 : i32 to index
    %get3A_508 = arith.constant 64 : index
    %get3A_509 = tpu.vector_load %arg7[%get3A_507, %get3A_508] {strides = array<i32>} : memref<16x256xf32, #tpu.memory_space<vmem>>, vector<1x16xf32>,
    %get3A_510 = vector.shape_cast %get3A_509 : vector<1x16xf32> to vector<16xf32>
    %add3A_511 = arith.addf %add3A_505, %get3A_510 : vector<16xf32>
    %swap3A_512 = arith.constant 64 : index
    %swap3A_513 = tpu.vector_load %arg8[%swap3A_512] {strides = array<i32>} : memref<256xf32, #tpu.memory_space<vmem>>, vector<16xf32>,
    %swap3A_514 = vector.shape_cast %swap3A_513 : vector<16xf32> to vector<16xf32>
    %swap3A_515 = vector.shape_cast %add3A_511 : vector<16xf32> to vector<16xf32>
    tpu.vector_store %arg8[%swap3A_512], %swap3A_515 {strides = array<i32>} : memref<256xf32, #tpu.memory_space<vmem>>, vector<16xf32>,
    %get3A_516 = arith.constant 80 : index
    %get3A_517 = tpu.vector_load %arg8[%get3A_516] {strides = array<i32>} : memref<256xf32, #tpu.memory_space<vmem>>, vector<16xf32>,
    %get3A_518 = vector.shape_cast %get3A_517 : vector<16xf32> to vector<16xf32>
    %get3A_519 = arith.constant 0 : i32
    %get3A_520 = arith.index_cast %get3A_519 : i32 to index
    %get3A_521 = arith.constant 80 : index
    %get3A_522 = tpu.vector_load %arg7[%get3A_520, %get3A_521] {strides = array<i32>} : memref<16x256xf32, #tpu.memory_space<vmem>>, vector<1x16xf32>,
    %get3A_523 = vector.shape_cast %get3A_522 : vector<1x16xf32> to vector<16xf32>
    %add3A_524 = arith.addf %get3A_518, %get3A_523 : vector<16xf32>
    %get3A_525 = arith.constant 1 : i32
    %get3A_526 = arith.index_cast %get3A_525 : i32 to index
    %get3A_527 = arith.constant 80 : index
    %get3A_528 = tpu.vector_load %arg7[%get3A_526, %get3A_527] {strides = array<i32>} : memref<16x256xf32, #tpu.memory_space<vmem>>, vector<1x16xf32>,
    %get3A_529 = vector.shape_cast %get3A_528 : vector<1x16xf32> to vector<16xf32>
    %add3A_530 = arith.addf %add3A_524, %get3A_529 : vector<16xf32>
    %get3A_531 = arith.constant 2 : i32
    %get3A_532 = arith.index_cast %get3A_531 : i32 to index
    %get3A_533 = arith.constant 80 : index
    %get3A_534 = tpu.vector_load %arg7[%get3A_532, %get3A_533] {strides = array<i32>} : memref<16x256xf32, #tpu.memory_space<vmem>>, vector<1x16xf32>,
    %get3A_535 = vector.shape_cast %get3A_534 : vector<1x16xf32> to vector<16xf32>
    %add3A_536 = arith.addf %add3A_530, %get3A_535 : vector<16xf32>
    %get3A_537 = arith.constant 3 : i32
    %get3A_538 = arith.index_cast %get3A_537 : i32 to index
    %get3A_539 = arith.constant 80 : index
    %get3A_540 = tpu.vector_load %arg7[%get3A_538, %get3A_539] {strides = array<i32>} : memref<16x256xf32, #tpu.memory_space<vmem>>, vector<1x16xf32>,
    %get3A_541 = vector.shape_cast %get3A_540 : vector<1x16xf32> to vector<16xf32>
    %add3A_542 = arith.addf %add3A_536, %get3A_541 : vector<16xf32>
    %get3A_543 = arith.constant 4 : i32
    %get3A_544 = arith.index_cast %get3A_543 : i32 to index
    %get3A_545 = arith.constant 80 : index
    %get3A_546 = tpu.vector_load %arg7[%get3A_544, %get3A_545] {strides = array<i32>} : memref<16x256xf32, #tpu.memory_space<vmem>>, vector<1x16xf32>,
    %get3A_547 = vector.shape_cast %get3A_546 : vector<1x16xf32> to vector<16xf32>
    %add3A_548 = arith.addf %add3A_542, %get3A_547 : vector<16xf32>
    %get3A_549 = arith.constant 5 : i32
    %get3A_550 = arith.index_cast %get3A_549 : i32 to index
    %get3A_551 = arith.constant 80 : index
    %get3A_552 = tpu.vector_load %arg7[%get3A_550, %get3A_551] {strides = array<i32>} : memref<16x256xf32, #tpu.memory_space<vmem>>, vector<1x16xf32>,
    %get3A_553 = vector.shape_cast %get3A_552 : vector<1x16xf32> to vector<16xf32>
    %add3A_554 = arith.addf %add3A_548, %get3A_553 : vector<16xf32>
    %get3A_555 = arith.constant 6 : i32
    %get3A_556 = arith.index_cast %get3A_555 : i32 to index
    %get3A_557 = arith.constant 80 : index
    %get3A_558 = tpu.vector_load %arg7[%get3A_556, %get3A_557] {strides = array<i32>} : memref<16x256xf32, #tpu.memory_space<vmem>>, vector<1x16xf32>,
    %get3A_559 = vector.shape_cast %get3A_558 : vector<1x16xf32> to vector<16xf32>
    %add3A_560 = arith.addf %add3A_554, %get3A_559 : vector<16xf32>
    %get3A_561 = arith.constant 7 : i32
    %get3A_562 = arith.index_cast %get3A_561 : i32 to index
    %get3A_563 = arith.constant 80 : index
    %get3A_564 = tpu.vector_load %arg7[%get3A_562, %get3A_563] {strides = array<i32>} : memref<16x256xf32, #tpu.memory_space<vmem>>, vector<1x16xf32>,
    %get3A_565 = vector.shape_cast %get3A_564 : vector<1x16xf32> to vector<16xf32>
    %add3A_566 = arith.addf %add3A_560, %get3A_565 : vector<16xf32>
    %get3A_567 = arith.constant 8 : i32
    %get3A_568 = arith.index_cast %get3A_567 : i32 to index
    %get3A_569 = arith.constant 80 : index
    %get3A_570 = tpu.vector_load %arg7[%get3A_568, %get3A_569] {strides = array<i32>} : memref<16x256xf32, #tpu.memory_space<vmem>>, vector<1x16xf32>,
    %get3A_571 = vector.shape_cast %get3A_570 : vector<1x16xf32> to vector<16xf32>
    %add3A_572 = arith.addf %add3A_566, %get3A_571 : vector<16xf32>
    %get3A_573 = arith.constant 9 : i32
    %get3A_574 = arith.index_cast %get3A_573 : i32 to index
    %get3A_575 = arith.constant 80 : index
    %get3A_576 = tpu.vector_load %arg7[%get3A_574, %get3A_575] {strides = array<i32>} : memref<16x256xf32, #tpu.memory_space<vmem>>, vector<1x16xf32>,
    %get3A_577 = vector.shape_cast %get3A_576 : vector<1x16xf32> to vector<16xf32>
    %add3A_578 = arith.addf %add3A_572, %get3A_577 : vector<16xf32>
    %get3A_579 = arith.constant 10 : i32
    %get3A_580 = arith.index_cast %get3A_579 : i32 to index
    %get3A_581 = arith.constant 80 : index
    %get3A_582 = tpu.vector_load %arg7[%get3A_580, %get3A_581] {strides = array<i32>} : memref<16x256xf32, #tpu.memory_space<vmem>>, vector<1x16xf32>,
    %get3A_583 = vector.shape_cast %get3A_582 : vector<1x16xf32> to vector<16xf32>
    %add3A_584 = arith.addf %add3A_578, %get3A_583 : vector<16xf32>
    %get3A_585 = arith.constant 11 : i32
    %get3A_586 = arith.index_cast %get3A_585 : i32 to index
    %get3A_587 = arith.constant 80 : index
    %get3A_588 = tpu.vector_load %arg7[%get3A_586, %get3A_587] {strides = array<i32>} : memref<16x256xf32, #tpu.memory_space<vmem>>, vector<1x16xf32>,
    %get3A_589 = vector.shape_cast %get3A_588 : vector<1x16xf32> to vector<16xf32>
    %add3A_590 = arith.addf %add3A_584, %get3A_589 : vector<16xf32>
    %get3A_591 = arith.constant 12 : i32
    %get3A_592 = arith.index_cast %get3A_591 : i32 to index
    %get3A_593 = arith.constant 80 : index
    %get3A_594 = tpu.vector_load %arg7[%get3A_592, %get3A_593] {strides = array<i32>} : memref<16x256xf32, #tpu.memory_space<vmem>>, vector<1x16xf32>,
    %get3A_595 = vector.shape_cast %get3A_594 : vector<1x16xf32> to vector<16xf32>
    %add3A_596 = arith.addf %add3A_590, %get3A_595 : vector<16xf32>
    %get3A_597 = arith.constant 13 : i32
    %get3A_598 = arith.index_cast %get3A_597 : i32 to index
    %get3A_599 = arith.constant 80 : index
    %get3A_600 = tpu.vector_load %arg7[%get3A_598, %get3A_599] {strides = array<i32>} : memref<16x256xf32, #tpu.memory_space<vmem>>, vector<1x16xf32>,
    %get3A_601 = vector.shape_cast %get3A_600 : vector<1x16xf32> to vector<16xf32>
    %add3A_602 = arith.addf %add3A_596, %get3A_601 : vector<16xf32>
    %get3A_603 = arith.constant 14 : i32
    %get3A_604 = arith.index_cast %get3A_603 : i32 to index
    %get3A_605 = arith.constant 80 : index
    %get3A_606 = tpu.vector_load %arg7[%get3A_604, %get3A_605] {strides = array<i32>} : memref<16x256xf32, #tpu.memory_space<vmem>>, vector<1x16xf32>,
    %get3A_607 = vector.shape_cast %get3A_606 : vector<1x16xf32> to vector<16xf32>
    %add3A_608 = arith.addf %add3A_602, %get3A_607 : vector<16xf32>
    %get3A_609 = arith.constant 15 : i32
    %get3A_610 = arith.index_cast %get3A_609 : i32 to index
    %get3A_611 = arith.constant 80 : index
    %get3A_612 = tpu.vector_load %arg7[%get3A_610, %get3A_611] {strides = array<i32>} : memref<16x256xf32, #tpu.memory_space<vmem>>, vector<1x16xf32>,
    %get3A_613 = vector.shape_cast %get3A_612 : vector<1x16xf32> to vector<16xf32>
    %add3A_614 = arith.addf %add3A_608, %get3A_613 : vector<16xf32>
    %swap3A_615 = arith.constant 80 : index
    %swap3A_616 = tpu.vector_load %arg8[%swap3A_615] {strides = array<i32>} : memref<256xf32, #tpu.memory_space<vmem>>, vector<16xf32>,
    %swap3A_617 = vector.shape_cast %swap3A_616 : vector<16xf32> to vector<16xf32>
    %swap3A_618 = vector.shape_cast %add3A_614 : vector<16xf32> to vector<16xf32>
    tpu.vector_store %arg8[%swap3A_615], %swap3A_618 {strides = array<i32>} : memref<256xf32, #tpu.memory_space<vmem>>, vector<16xf32>,
    %get3A_619 = arith.constant 96 : index
    %get3A_620 = tpu.vector_load %arg8[%get3A_619] {strides = array<i32>} : memref<256xf32, #tpu.memory_space<vmem>>, vector<16xf32>,
    %get3A_621 = vector.shape_cast %get3A_620 : vector<16xf32> to vector<16xf32>
    %get3A_622 = arith.constant 0 : i32
    %get3A_623 = arith.index_cast %get3A_622 : i32 to index
    %get3A_624 = arith.constant 96 : index
    %get3A_625 = tpu.vector_load %arg7[%get3A_623, %get3A_624] {strides = array<i32>} : memref<16x256xf32, #tpu.memory_space<vmem>>, vector<1x16xf32>,
    %get3A_626 = vector.shape_cast %get3A_625 : vector<1x16xf32> to vector<16xf32>
    %add3A_627 = arith.addf %get3A_621, %get3A_626 : vector<16xf32>
    %get3A_628 = arith.constant 1 : i32
    %get3A_629 = arith.index_cast %get3A_628 : i32 to index
    %get3A_630 = arith.constant 96 : index
    %get3A_631 = tpu.vector_load %arg7[%get3A_629, %get3A_630] {strides = array<i32>} : memref<16x256xf32, #tpu.memory_space<vmem>>, vector<1x16xf32>,
    %get3A_632 = vector.shape_cast %get3A_631 : vector<1x16xf32> to vector<16xf32>
    %add3A_633 = arith.addf %add3A_627, %get3A_632 : vector<16xf32>
    %get3A_634 = arith.constant 2 : i32
    %get3A_635 = arith.index_cast %get3A_634 : i32 to index
    %get3A_636 = arith.constant 96 : index
    %get3A_637 = tpu.vector_load %arg7[%get3A_635, %get3A_636] {strides = array<i32>} : memref<16x256xf32, #tpu.memory_space<vmem>>, vector<1x16xf32>,
    %get3A_638 = vector.shape_cast %get3A_637 : vector<1x16xf32> to vector<16xf32>
    %add3A_639 = arith.addf %add3A_633, %get3A_638 : vector<16xf32>
    %get3A_640 = arith.constant 3 : i32
    %get3A_641 = arith.index_cast %get3A_640 : i32 to index
    %get3A_642 = arith.constant 96 : index
    %get3A_643 = tpu.vector_load %arg7[%get3A_641, %get3A_642] {strides = array<i32>} : memref<16x256xf32, #tpu.memory_space<vmem>>, vector<1x16xf32>,
    %get3A_644 = vector.shape_cast %get3A_643 : vector<1x16xf32> to vector<16xf32>
    %add3A_645 = arith.addf %add3A_639, %get3A_644 : vector<16xf32>
    %get3A_646 = arith.constant 4 : i32
    %get3A_647 = arith.index_cast %get3A_646 : i32 to index
    %get3A_648 = arith.constant 96 : index
    %get3A_649 = tpu.vector_load %arg7[%get3A_647, %get3A_648] {strides = array<i32>} : memref<16x256xf32, #tpu.memory_space<vmem>>, vector<1x16xf32>,
    %get3A_650 = vector.shape_cast %get3A_649 : vector<1x16xf32> to vector<16xf32>
    %add3A_651 = arith.addf %add3A_645, %get3A_650 : vector<16xf32>
    %get3A_652 = arith.constant 5 : i32
    %get3A_653 = arith.index_cast %get3A_652 : i32 to index
    %get3A_654 = arith.constant 96 : index
    %get3A_655 = tpu.vector_load %arg7[%get3A_653, %get3A_654] {strides = array<i32>} : memref<16x256xf32, #tpu.memory_space<vmem>>, vector<1x16xf32>,
    %get3A_656 = vector.shape_cast %get3A_655 : vector<1x16xf32> to vector<16xf32>
    %add3A_657 = arith.addf %add3A_651, %get3A_656 : vector<16xf32>
    %get3A_658 = arith.constant 6 : i32
    %get3A_659 = arith.index_cast %get3A_658 : i32 to index
    %get3A_660 = arith.constant 96 : index
    %get3A_661 = tpu.vector_load %arg7[%get3A_659, %get3A_660] {strides = array<i32>} : memref<16x256xf32, #tpu.memory_space<vmem>>, vector<1x16xf32>,
    %get3A_662 = vector.shape_cast %get3A_661 : vector<1x16xf32> to vector<16xf32>
    %add3A_663 = arith.addf %add3A_657, %get3A_662 : vector<16xf32>
    %get3A_664 = arith.constant 7 : i32
    %get3A_665 = arith.index_cast %get3A_664 : i32 to index
    %get3A_666 = arith.constant 96 : index
    %get3A_667 = tpu.vector_load %arg7[%get3A_665, %get3A_666] {strides = array<i32>} : memref<16x256xf32, #tpu.memory_space<vmem>>, vector<1x16xf32>,
    %get3A_668 = vector.shape_cast %get3A_667 : vector<1x16xf32> to vector<16xf32>
    %add3A_669 = arith.addf %add3A_663, %get3A_668 : vector<16xf32>
    %get3A_670 = arith.constant 8 : i32
    %get3A_671 = arith.index_cast %get3A_670 : i32 to index
    %get3A_672 = arith.constant 96 : index
    %get3A_673 = tpu.vector_load %arg7[%get3A_671, %get3A_672] {strides = array<i32>} : memref<16x256xf32, #tpu.memory_space<vmem>>, vector<1x16xf32>,
    %get3A_674 = vector.shape_cast %get3A_673 : vector<1x16xf32> to vector<16xf32>
    %add3A_675 = arith.addf %add3A_669, %get3A_674 : vector<16xf32>
    %get3A_676 = arith.constant 9 : i32
    %get3A_677 = arith.index_cast %get3A_676 : i32 to index
    %get3A_678 = arith.constant 96 : index
    %get3A_679 = tpu.vector_load %arg7[%get3A_677, %get3A_678] {strides = array<i32>} : memref<16x256xf32, #tpu.memory_space<vmem>>, vector<1x16xf32>,
    %get3A_680 = vector.shape_cast %get3A_679 : vector<1x16xf32> to vector<16xf32>
    %add3A_681 = arith.addf %add3A_675, %get3A_680 : vector<16xf32>
    %get3A_682 = arith.constant 10 : i32
    %get3A_683 = arith.index_cast %get3A_682 : i32 to index
    %get3A_684 = arith.constant 96 : index
    %get3A_685 = tpu.vector_load %arg7[%get3A_683, %get3A_684] {strides = array<i32>} : memref<16x256xf32, #tpu.memory_space<vmem>>, vector<1x16xf32>,
    %get3A_686 = vector.shape_cast %get3A_685 : vector<1x16xf32> to vector<16xf32>
    %add3A_687 = arith.addf %add3A_681, %get3A_686 : vector<16xf32>
    %get3A_688 = arith.constant 11 : i32
    %get3A_689 = arith.index_cast %get3A_688 : i32 to index
    %get3A_690 = arith.constant 96 : index
    %get3A_691 = tpu.vector_load %arg7[%get3A_689, %get3A_690] {strides = array<i32>} : memref<16x256xf32, #tpu.memory_space<vmem>>, vector<1x16xf32>,
    %get3A_692 = vector.shape_cast %get3A_691 : vector<1x16xf32> to vector<16xf32>
    %add3A_693 = arith.addf %add3A_687, %get3A_692 : vector<16xf32>
    %get3A_694 = arith.constant 12 : i32
    %get3A_695 = arith.index_cast %get3A_694 : i32 to index
    %get3A_696 = arith.constant 96 : index
    %get3A_697 = tpu.vector_load %arg7[%get3A_695, %get3A_696] {strides = array<i32>} : memref<16x256xf32, #tpu.memory_space<vmem>>, vector<1x16xf32>,
    %get3A_698 = vector.shape_cast %get3A_697 : vector<1x16xf32> to vector<16xf32>
    %add3A_699 = arith.addf %add3A_693, %get3A_698 : vector<16xf32>
    %get3A_700 = arith.constant 13 : i32
    %get3A_701 = arith.index_cast %get3A_700 : i32 to index
    %get3A_702 = arith.constant 96 : index
    %get3A_703 = tpu.vector_load %arg7[%get3A_701, %get3A_702] {strides = array<i32>} : memref<16x256xf32, #tpu.memory_space<vmem>>, vector<1x16xf32>,
    %get3A_704 = vector.shape_cast %get3A_703 : vector<1x16xf32> to vector<16xf32>
    %add3A_705 = arith.addf %add3A_699, %get3A_704 : vector<16xf32>
    %get3A_706 = arith.constant 14 : i32
    %get3A_707 = arith.index_cast %get3A_706 : i32 to index
    %get3A_708 = arith.constant 96 : index
    %get3A_709 = tpu.vector_load %arg7[%get3A_707, %get3A_708] {strides = array<i32>} : memref<16x256xf32, #tpu.memory_space<vmem>>, vector<1x16xf32>,
    %get3A_710 = vector.shape_cast %get3A_709 : vector<1x16xf32> to vector<16xf32>
    %add3A_711 = arith.addf %add3A_705, %get3A_710 : vector<16xf32>
    %get3A_712 = arith.constant 15 : i32
    %get3A_713 = arith.index_cast %get3A_712 : i32 to index
    %get3A_714 = arith.constant 96 : index
    %get3A_715 = tpu.vector_load %arg7[%get3A_713, %get3A_714] {strides = array<i32>} : memref<16x256xf32, #tpu.memory_space<vmem>>, vector<1x16xf32>,
    %get3A_716 = vector.shape_cast %get3A_715 : vector<1x16xf32> to vector<16xf32>
    %add3A_717 = arith.addf %add3A_711, %get3A_716 : vector<16xf32>
    %swap3A_718 = arith.constant 96 : index
    %swap3A_719 = tpu.vector_load %arg8[%swap3A_718] {strides = array<i32>} : memref<256xf32, #tpu.memory_space<vmem>>, vector<16xf32>,
    %swap3A_720 = vector.shape_cast %swap3A_719 : vector<16xf32> to vector<16xf32>
    %swap3A_721 = vector.shape_cast %add3A_717 : vector<16xf32> to vector<16xf32>
    tpu.vector_store %arg8[%swap3A_718], %swap3A_721 {strides = array<i32>} : memref<256xf32, #tpu.memory_space<vmem>>, vector<16xf32>,
    %get3A_722 = arith.constant 112 : index
    %get3A_723 = tpu.vector_load %arg8[%get3A_722] {strides = array<i32>} : memref<256xf32, #tpu.memory_space<vmem>>, vector<16xf32>,
    %get3A_724 = vector.shape_cast %get3A_723 : vector<16xf32> to vector<16xf32>
    %get3A_725 = arith.constant 0 : i32
    %get3A_726 = arith.index_cast %get3A_725 : i32 to index
    %get3A_727 = arith.constant 112 : index
    %get3A_728 = tpu.vector_load %arg7[%get3A_726, %get3A_727] {strides = array<i32>} : memref<16x256xf32, #tpu.memory_space<vmem>>, vector<1x16xf32>,
    %get3A_729 = vector.shape_cast %get3A_728 : vector<1x16xf32> to vector<16xf32>
    %add3A_730 = arith.addf %get3A_724, %get3A_729 : vector<16xf32>
    %get3A_731 = arith.constant 1 : i32
    %get3A_732 = arith.index_cast %get3A_731 : i32 to index
    %get3A_733 = arith.constant 112 : index
    %get3A_734 = tpu.vector_load %arg7[%get3A_732, %get3A_733] {strides = array<i32>} : memref<16x256xf32, #tpu.memory_space<vmem>>, vector<1x16xf32>,
    %get3A_735 = vector.shape_cast %get3A_734 : vector<1x16xf32> to vector<16xf32>
    %add3A_736 = arith.addf %add3A_730, %get3A_735 : vector<16xf32>
    %get3A_737 = arith.constant 2 : i32
    %get3A_738 = arith.index_cast %get3A_737 : i32 to index
    %get3A_739 = arith.constant 112 : index
    %get3A_740 = tpu.vector_load %arg7[%get3A_738, %get3A_739] {strides = array<i32>} : memref<16x256xf32, #tpu.memory_space<vmem>>, vector<1x16xf32>,
    %get3A_741 = vector.shape_cast %get3A_740 : vector<1x16xf32> to vector<16xf32>
    %add3A_742 = arith.addf %add3A_736, %get3A_741 : vector<16xf32>
    %get3A_743 = arith.constant 3 : i32
    %get3A_744 = arith.index_cast %get3A_743 : i32 to index
    %get3A_745 = arith.constant 112 : index
    %get3A_746 = tpu.vector_load %arg7[%get3A_744, %get3A_745] {strides = array<i32>} : memref<16x256xf32, #tpu.memory_space<vmem>>, vector<1x16xf32>,
    %get3A_747 = vector.shape_cast %get3A_746 : vector<1x16xf32> to vector<16xf32>
    %add3A_748 = arith.addf %add3A_742, %get3A_747 : vector<16xf32>
    %get3A_749 = arith.constant 4 : i32
    %get3A_750 = arith.index_cast %get3A_749 : i32 to index
    %get3A_751 = arith.constant 112 : index
    %get3A_752 = tpu.vector_load %arg7[%get3A_750, %get3A_751] {strides = array<i32>} : memref<16x256xf32, #tpu.memory_space<vmem>>, vector<1x16xf32>,
    %get3A_753 = vector.shape_cast %get3A_752 : vector<1x16xf32> to vector<16xf32>
    %add3A_754 = arith.addf %add3A_748, %get3A_753 : vector<16xf32>
    %get3A_755 = arith.constant 5 : i32
    %get3A_756 = arith.index_cast %get3A_755 : i32 to index
    %get3A_757 = arith.constant 112 : index
    %get3A_758 = tpu.vector_load %arg7[%get3A_756, %get3A_757] {strides = array<i32>} : memref<16x256xf32, #tpu.memory_space<vmem>>, vector<1x16xf32>,
    %get3A_759 = vector.shape_cast %get3A_758 : vector<1x16xf32> to vector<16xf32>
    %add3A_760 = arith.addf %add3A_754, %get3A_759 : vector<16xf32>
    %get3A_761 = arith.constant 6 : i32
    %get3A_762 = arith.index_cast %get3A_761 : i32 to index
    %get3A_763 = arith.constant 112 : index
    %get3A_764 = tpu.vector_load %arg7[%get3A_762, %get3A_763] {strides = array<i32>} : memref<16x256xf32, #tpu.memory_space<vmem>>, vector<1x16xf32>,
    %get3A_765 = vector.shape_cast %get3A_764 : vector<1x16xf32> to vector<16xf32>
    %add3A_766 = arith.addf %add3A_760, %get3A_765 : vector<16xf32>
    %get3A_767 = arith.constant 7 : i32
    %get3A_768 = arith.index_cast %get3A_767 : i32 to index
    %get3A_769 = arith.constant 112 : index
    %get3A_770 = tpu.vector_load %arg7[%get3A_768, %get3A_769] {strides = array<i32>} : memref<16x256xf32, #tpu.memory_space<vmem>>, vector<1x16xf32>,
    %get3A_771 = vector.shape_cast %get3A_770 : vector<1x16xf32> to vector<16xf32>
    %add3A_772 = arith.addf %add3A_766, %get3A_771 : vector<16xf32>
    %get3A_773 = arith.constant 8 : i32
    %get3A_774 = arith.index_cast %get3A_773 : i32 to index
    %get3A_775 = arith.constant 112 : index
    %get3A_776 = tpu.vector_load %arg7[%get3A_774, %get3A_775] {strides = array<i32>} : memref<16x256xf32, #tpu.memory_space<vmem>>, vector<1x16xf32>,
    %get3A_777 = vector.shape_cast %get3A_776 : vector<1x16xf32> to vector<16xf32>
    %add3A_778 = arith.addf %add3A_772, %get3A_777 : vector<16xf32>
    %get3A_779 = arith.constant 9 : i32
    %get3A_780 = arith.index_cast %get3A_779 : i32 to index
    %get3A_781 = arith.constant 112 : index
    %get3A_782 = tpu.vector_load %arg7[%get3A_780, %get3A_781] {strides = array<i32>} : memref<16x256xf32, #tpu.memory_space<vmem>>, vector<1x16xf32>,
    %get3A_783 = vector.shape_cast %get3A_782 : vector<1x16xf32> to vector<16xf32>
    %add3A_784 = arith.addf %add3A_778, %get3A_783 : vector<16xf32>
    %get3A_785 = arith.constant 10 : i32
    %get3A_786 = arith.index_cast %get3A_785 : i32 to index
    %get3A_787 = arith.constant 112 : index
    %get3A_788 = tpu.vector_load %arg7[%get3A_786, %get3A_787] {strides = array<i32>} : memref<16x256xf32, #tpu.memory_space<vmem>>, vector<1x16xf32>,
    %get3A_789 = vector.shape_cast %get3A_788 : vector<1x16xf32> to vector<16xf32>
    %add3A_790 = arith.addf %add3A_784, %get3A_789 : vector<16xf32>
    %get3A_791 = arith.constant 11 : i32
    %get3A_792 = arith.index_cast %get3A_791 : i32 to index
    %get3A_793 = arith.constant 112 : index
    %get3A_794 = tpu.vector_load %arg7[%get3A_792, %get3A_793] {strides = array<i32>} : memref<16x256xf32, #tpu.memory_space<vmem>>, vector<1x16xf32>,
    %get3A_795 = vector.shape_cast %get3A_794 : vector<1x16xf32> to vector<16xf32>
    %add3A_796 = arith.addf %add3A_790, %get3A_795 : vector<16xf32>
    %get3A_797 = arith.constant 12 : i32
    %get3A_798 = arith.index_cast %get3A_797 : i32 to index
    %get3A_799 = arith.constant 112 : index
    %get3A_800 = tpu.vector_load %arg7[%get3A_798, %get3A_799] {strides = array<i32>} : memref<16x256xf32, #tpu.memory_space<vmem>>, vector<1x16xf32>,
    %get3A_801 = vector.shape_cast %get3A_800 : vector<1x16xf32> to vector<16xf32>
    %add3A_802 = arith.addf %add3A_796, %get3A_801 : vector<16xf32>
    %get3A_803 = arith.constant 13 : i32
    %get3A_804 = arith.index_cast %get3A_803 : i32 to index
    %get3A_805 = arith.constant 112 : index
    %get3A_806 = tpu.vector_load %arg7[%get3A_804, %get3A_805] {strides = array<i32>} : memref<16x256xf32, #tpu.memory_space<vmem>>, vector<1x16xf32>,
    %get3A_807 = vector.shape_cast %get3A_806 : vector<1x16xf32> to vector<16xf32>
    %add3A_808 = arith.addf %add3A_802, %get3A_807 : vector<16xf32>
    %get3A_809 = arith.constant 14 : i32
    %get3A_810 = arith.index_cast %get3A_809 : i32 to index
    %get3A_811 = arith.constant 112 : index
    %get3A_812 = tpu.vector_load %arg7[%get3A_810, %get3A_811] {strides = array<i32>} : memref<16x256xf32, #tpu.memory_space<vmem>>, vector<1x16xf32>,
    %get3A_813 = vector.shape_cast %get3A_812 : vector<1x16xf32> to vector<16xf32>
    %add3A_814 = arith.addf %add3A_808, %get3A_813 : vector<16xf32>
    %get3A_815 = arith.constant 15 : i32
    %get3A_816 = arith.index_cast %get3A_815 : i32 to index
    %get3A_817 = arith.constant 112 : index
    %get3A_818 = tpu.vector_load %arg7[%get3A_816, %get3A_817] {strides = array<i32>} : memref<16x256xf32, #tpu.memory_space<vmem>>, vector<1x16xf32>,
    %get3A_819 = vector.shape_cast %get3A_818 : vector<1x16xf32> to vector<16xf32>
    %add3A_820 = arith.addf %add3A_814, %get3A_819 : vector<16xf32>
    %swap3A_821 = arith.constant 112 : index
    %swap3A_822 = tpu.vector_load %arg8[%swap3A_821] {strides = array<i32>} : memref<256xf32, #tpu.memory_space<vmem>>, vector<16xf32>,
    %swap3A_823 = vector.shape_cast %swap3A_822 : vector<16xf32> to vector<16xf32>
    %swap3A_824 = vector.shape_cast %add3A_820 : vector<16xf32> to vector<16xf32>
    tpu.vector_store %arg8[%swap3A_821], %swap3A_824 {strides = array<i32>} : memref<256xf32, #tpu.memory_space<vmem>>, vector<16xf32>,
    %get3A_825 = arith.constant 128 : index
    %get3A_826 = tpu.vector_load %arg8[%get3A_825] {strides = array<i32>} : memref<256xf32, #tpu.memory_space<vmem>>, vector<16xf32>,
    %get3A_827 = vector.shape_cast %get3A_826 : vector<16xf32> to vector<16xf32>
    %get3A_828 = arith.constant 0 : i32
    %get3A_829 = arith.index_cast %get3A_828 : i32 to index
    %get3A_830 = arith.constant 128 : index
    %get3A_831 = tpu.vector_load %arg7[%get3A_829, %get3A_830] {strides = array<i32>} : memref<16x256xf32, #tpu.memory_space<vmem>>, vector<1x16xf32>,
    %get3A_832 = vector.shape_cast %get3A_831 : vector<1x16xf32> to vector<16xf32>
    %add3A_833 = arith.addf %get3A_827, %get3A_832 : vector<16xf32>
    %get3A_834 = arith.constant 1 : i32
    %get3A_835 = arith.index_cast %get3A_834 : i32 to index
    %get3A_836 = arith.constant 128 : index
    %get3A_837 = tpu.vector_load %arg7[%get3A_835, %get3A_836] {strides = array<i32>} : memref<16x256xf32, #tpu.memory_space<vmem>>, vector<1x16xf32>,
    %get3A_838 = vector.shape_cast %get3A_837 : vector<1x16xf32> to vector<16xf32>
    %add3A_839 = arith.addf %add3A_833, %get3A_838 : vector<16xf32>
    %get3A_840 = arith.constant 2 : i32
    %get3A_841 = arith.index_cast %get3A_840 : i32 to index
    %get3A_842 = arith.constant 128 : index
    %get3A_843 = tpu.vector_load %arg7[%get3A_841, %get3A_842] {strides = array<i32>} : memref<16x256xf32, #tpu.memory_space<vmem>>, vector<1x16xf32>,
    %get3A_844 = vector.shape_cast %get3A_843 : vector<1x16xf32> to vector<16xf32>
    %add3A_845 = arith.addf %add3A_839, %get3A_844 : vector<16xf32>
    %get3A_846 = arith.constant 3 : i32
    %get3A_847 = arith.index_cast %get3A_846 : i32 to index
    %get3A_848 = arith.constant 128 : index
    %get3A_849 = tpu.vector_load %arg7[%get3A_847, %get3A_848] {strides = array<i32>} : memref<16x256xf32, #tpu.memory_space<vmem>>, vector<1x16xf32>,
    %get3A_850 = vector.shape_cast %get3A_849 : vector<1x16xf32> to vector<16xf32>
    %add3A_851 = arith.addf %add3A_845, %get3A_850 : vector<16xf32>
    %get3A_852 = arith.constant 4 : i32
    %get3A_853 = arith.index_cast %get3A_852 : i32 to index
    %get3A_854 = arith.constant 128 : index
    %get3A_855 = tpu.vector_load %arg7[%get3A_853, %get3A_854] {strides = array<i32>} : memref<16x256xf32, #tpu.memory_space<vmem>>, vector<1x16xf32>,
    %get3A_856 = vector.shape_cast %get3A_855 : vector<1x16xf32> to vector<16xf32>
    %add3A_857 = arith.addf %add3A_851, %get3A_856 : vector<16xf32>
    %get3A_858 = arith.constant 5 : i32
    %get3A_859 = arith.index_cast %get3A_858 : i32 to index
    %get3A_860 = arith.constant 128 : index
    %get3A_861 = tpu.vector_load %arg7[%get3A_859, %get3A_860] {strides = array<i32>} : memref<16x256xf32, #tpu.memory_space<vmem>>, vector<1x16xf32>,
    %get3A_862 = vector.shape_cast %get3A_861 : vector<1x16xf32> to vector<16xf32>
    %add3A_863 = arith.addf %add3A_857, %get3A_862 : vector<16xf32>
    %get3A_864 = arith.constant 6 : i32
    %get3A_865 = arith.index_cast %get3A_864 : i32 to index
    %get3A_866 = arith.constant 128 : index
    %get3A_867 = tpu.vector_load %arg7[%get3A_865, %get3A_866] {strides = array<i32>} : memref<16x256xf32, #tpu.memory_space<vmem>>, vector<1x16xf32>,
    %get3A_868 = vector.shape_cast %get3A_867 : vector<1x16xf32> to vector<16xf32>
    %add3A_869 = arith.addf %add3A_863, %get3A_868 : vector<16xf32>
    %get3A_870 = arith.constant 7 : i32
    %get3A_871 = arith.index_cast %get3A_870 : i32 to index
    %get3A_872 = arith.constant 128 : index
    %get3A_873 = tpu.vector_load %arg7[%get3A_871, %get3A_872] {strides = array<i32>} : memref<16x256xf32, #tpu.memory_space<vmem>>, vector<1x16xf32>,
    %get3A_874 = vector.shape_cast %get3A_873 : vector<1x16xf32> to vector<16xf32>
    %add3A_875 = arith.addf %add3A_869, %get3A_874 : vector<16xf32>
    %get3A_876 = arith.constant 8 : i32
    %get3A_877 = arith.index_cast %get3A_876 : i32 to index
    %get3A_878 = arith.constant 128 : index
    %get3A_879 = tpu.vector_load %arg7[%get3A_877, %get3A_878] {strides = array<i32>} : memref<16x256xf32, #tpu.memory_space<vmem>>, vector<1x16xf32>,
    %get3A_880 = vector.shape_cast %get3A_879 : vector<1x16xf32> to vector<16xf32>
    %add3A_881 = arith.addf %add3A_875, %get3A_880 : vector<16xf32>
    %get3A_882 = arith.constant 9 : i32
    %get3A_883 = arith.index_cast %get3A_882 : i32 to index
    %get3A_884 = arith.constant 128 : index
    %get3A_885 = tpu.vector_load %arg7[%get3A_883, %get3A_884] {strides = array<i32>} : memref<16x256xf32, #tpu.memory_space<vmem>>, vector<1x16xf32>,
    %get3A_886 = vector.shape_cast %get3A_885 : vector<1x16xf32> to vector<16xf32>
    %add3A_887 = arith.addf %add3A_881, %get3A_886 : vector<16xf32>
    %get3A_888 = arith.constant 10 : i32
    %get3A_889 = arith.index_cast %get3A_888 : i32 to index
    %get3A_890 = arith.constant 128 : index
    %get3A_891 = tpu.vector_load %arg7[%get3A_889, %get3A_890] {strides = array<i32>} : memref<16x256xf32, #tpu.memory_space<vmem>>, vector<1x16xf32>,
    %get3A_892 = vector.shape_cast %get3A_891 : vector<1x16xf32> to vector<16xf32>
    %add3A_893 = arith.addf %add3A_887, %get3A_892 : vector<16xf32>
    %get3A_894 = arith.constant 11 : i32
    %get3A_895 = arith.index_cast %get3A_894 : i32 to index
    %get3A_896 = arith.constant 128 : index
    %get3A_897 = tpu.vector_load %arg7[%get3A_895, %get3A_896] {strides = array<i32>} : memref<16x256xf32, #tpu.memory_space<vmem>>, vector<1x16xf32>,
    %get3A_898 = vector.shape_cast %get3A_897 : vector<1x16xf32> to vector<16xf32>
    %add3A_899 = arith.addf %add3A_893, %get3A_898 : vector<16xf32>
    %get3A_900 = arith.constant 12 : i32
    %get3A_901 = arith.index_cast %get3A_900 : i32 to index
    %get3A_902 = arith.constant 128 : index
    %get3A_903 = tpu.vector_load %arg7[%get3A_901, %get3A_902] {strides = array<i32>} : memref<16x256xf32, #tpu.memory_space<vmem>>, vector<1x16xf32>,
    %get3A_904 = vector.shape_cast %get3A_903 : vector<1x16xf32> to vector<16xf32>
    %add3A_905 = arith.addf %add3A_899, %get3A_904 : vector<16xf32>
    %get3A_906 = arith.constant 13 : i32
    %get3A_907 = arith.index_cast %get3A_906 : i32 to index
    %get3A_908 = arith.constant 128 : index
    %get3A_909 = tpu.vector_load %arg7[%get3A_907, %get3A_908] {strides = array<i32>} : memref<16x256xf32, #tpu.memory_space<vmem>>, vector<1x16xf32>,
    %get3A_910 = vector.shape_cast %get3A_909 : vector<1x16xf32> to vector<16xf32>
    %add3A_911 = arith.addf %add3A_905, %get3A_910 : vector<16xf32>
    %get3A_912 = arith.constant 14 : i32
    %get3A_913 = arith.index_cast %get3A_912 : i32 to index
    %get3A_914 = arith.constant 128 : index
    %get3A_915 = tpu.vector_load %arg7[%get3A_913, %get3A_914] {strides = array<i32>} : memref<16x256xf32, #tpu.memory_space<vmem>>, vector<1x16xf32>,
    %get3A_916 = vector.shape_cast %get3A_915 : vector<1x16xf32> to vector<16xf32>
    %add3A_917 = arith.addf %add3A_911, %get3A_916 : vector<16xf32>
    %get3A_918 = arith.constant 15 : i32
    %get3A_919 = arith.index_cast %get3A_918 : i32 to index
    %get3A_920 = arith.constant 128 : index
    %get3A_921 = tpu.vector_load %arg7[%get3A_919, %get3A_920] {strides = array<i32>} : memref<16x256xf32, #tpu.memory_space<vmem>>, vector<1x16xf32>,
    %get3A_922 = vector.shape_cast %get3A_921 : vector<1x16xf32> to vector<16xf32>
    %add3A_923 = arith.addf %add3A_917, %get3A_922 : vector<16xf32>
    %swap3A_924 = arith.constant 128 : index
    %swap3A_925 = tpu.vector_load %arg8[%swap3A_924] {strides = array<i32>} : memref<256xf32, #tpu.memory_space<vmem>>, vector<16xf32>,
    %swap3A_926 = vector.shape_cast %swap3A_925 : vector<16xf32> to vector<16xf32>
    %swap3A_927 = vector.shape_cast %add3A_923 : vector<16xf32> to vector<16xf32>
    tpu.vector_store %arg8[%swap3A_924], %swap3A_927 {strides = array<i32>} : memref<256xf32, #tpu.memory_space<vmem>>, vector<16xf32>,
    %get3A_928 = arith.constant 144 : index
    %get3A_929 = tpu.vector_load %arg8[%get3A_928] {strides = array<i32>} : memref<256xf32, #tpu.memory_space<vmem>>, vector<16xf32>,
    %get3A_930 = vector.shape_cast %get3A_929 : vector<16xf32> to vector<16xf32>
    %get3A_931 = arith.constant 0 : i32
    %get3A_932 = arith.index_cast %get3A_931 : i32 to index
    %get3A_933 = arith.constant 144 : index
    %get3A_934 = tpu.vector_load %arg7[%get3A_932, %get3A_933] {strides = array<i32>} : memref<16x256xf32, #tpu.memory_space<vmem>>, vector<1x16xf32>,
    %get3A_935 = vector.shape_cast %get3A_934 : vector<1x16xf32> to vector<16xf32>
    %add3A_936 = arith.addf %get3A_930, %get3A_935 : vector<16xf32>
    %get3A_937 = arith.constant 1 : i32
    %get3A_938 = arith.index_cast %get3A_937 : i32 to index
    %get3A_939 = arith.constant 144 : index
    %get3A_940 = tpu.vector_load %arg7[%get3A_938, %get3A_939] {strides = array<i32>} : memref<16x256xf32, #tpu.memory_space<vmem>>, vector<1x16xf32>,
    %get3A_941 = vector.shape_cast %get3A_940 : vector<1x16xf32> to vector<16xf32>
    %add3A_942 = arith.addf %add3A_936, %get3A_941 : vector<16xf32>
    %get3A_943 = arith.constant 2 : i32
    %get3A_944 = arith.index_cast %get3A_943 : i32 to index
    %get3A_945 = arith.constant 144 : index
    %get3A_946 = tpu.vector_load %arg7[%get3A_944, %get3A_945] {strides = array<i32>} : memref<16x256xf32, #tpu.memory_space<vmem>>, vector<1x16xf32>,
    %get3A_947 = vector.shape_cast %get3A_946 : vector<1x16xf32> to vector<16xf32>
    %add3A_948 = arith.addf %add3A_942, %get3A_947 : vector<16xf32>
    %get3A_949 = arith.constant 3 : i32
    %get3A_950 = arith.index_cast %get3A_949 : i32 to index
    %get3A_951 = arith.constant 144 : index
    %get3A_952 = tpu.vector_load %arg7[%get3A_950, %get3A_951] {strides = array<i32>} : memref<16x256xf32, #tpu.memory_space<vmem>>, vector<1x16xf32>,
    %get3A_953 = vector.shape_cast %get3A_952 : vector<1x16xf32> to vector<16xf32>
    %add3A_954 = arith.addf %add3A_948, %get3A_953 : vector<16xf32>
    %get3A_955 = arith.constant 4 : i32
    %get3A_956 = arith.index_cast %get3A_955 : i32 to index
    %get3A_957 = arith.constant 144 : index
    %get3A_958 = tpu.vector_load %arg7[%get3A_956, %get3A_957] {strides = array<i32>} : memref<16x256xf32, #tpu.memory_space<vmem>>, vector<1x16xf32>,
    %get3A_959 = vector.shape_cast %get3A_958 : vector<1x16xf32> to vector<16xf32>
    %add3A_960 = arith.addf %add3A_954, %get3A_959 : vector<16xf32>
    %get3A_961 = arith.constant 5 : i32
    %get3A_962 = arith.index_cast %get3A_961 : i32 to index
    %get3A_963 = arith.constant 144 : index
    %get3A_964 = tpu.vector_load %arg7[%get3A_962, %get3A_963] {strides = array<i32>} : memref<16x256xf32, #tpu.memory_space<vmem>>, vector<1x16xf32>,
    %get3A_965 = vector.shape_cast %get3A_964 : vector<1x16xf32> to vector<16xf32>
    %add3A_966 = arith.addf %add3A_960, %get3A_965 : vector<16xf32>
    %get3A_967 = arith.constant 6 : i32
    %get3A_968 = arith.index_cast %get3A_967 : i32 to index
    %get3A_969 = arith.constant 144 : index
    %get3A_970 = tpu.vector_load %arg7[%get3A_968, %get3A_969] {strides = array<i32>} : memref<16x256xf32, #tpu.memory_space<vmem>>, vector<1x16xf32>,
    %get3A_971 = vector.shape_cast %get3A_970 : vector<1x16xf32> to vector<16xf32>
    %add3A_972 = arith.addf %add3A_966, %get3A_971 : vector<16xf32>
    %get3A_973 = arith.constant 7 : i32
    %get3A_974 = arith.index_cast %get3A_973 : i32 to index
    %get3A_975 = arith.constant 144 : index
    %get3A_976 = tpu.vector_load %arg7[%get3A_974, %get3A_975] {strides = array<i32>} : memref<16x256xf32, #tpu.memory_space<vmem>>, vector<1x16xf32>,
    %get3A_977 = vector.shape_cast %get3A_976 : vector<1x16xf32> to vector<16xf32>
    %add3A_978 = arith.addf %add3A_972, %get3A_977 : vector<16xf32>
    %get3A_979 = arith.constant 8 : i32
    %get3A_980 = arith.index_cast %get3A_979 : i32 to index
    %get3A_981 = arith.constant 144 : index
    %get3A_982 = tpu.vector_load %arg7[%get3A_980, %get3A_981] {strides = array<i32>} : memref<16x256xf32, #tpu.memory_space<vmem>>, vector<1x16xf32>,
    %get3A_983 = vector.shape_cast %get3A_982 : vector<1x16xf32> to vector<16xf32>
    %add3A_984 = arith.addf %add3A_978, %get3A_983 : vector<16xf32>
    %get3A_985 = arith.constant 9 : i32
    %get3A_986 = arith.index_cast %get3A_985 : i32 to index
    %get3A_987 = arith.constant 144 : index
    %get3A_988 = tpu.vector_load %arg7[%get3A_986, %get3A_987] {strides = array<i32>} : memref<16x256xf32, #tpu.memory_space<vmem>>, vector<1x16xf32>,
    %get3A_989 = vector.shape_cast %get3A_988 : vector<1x16xf32> to vector<16xf32>
    %add3A_990 = arith.addf %add3A_984, %get3A_989 : vector<16xf32>
    %get3A_991 = arith.constant 10 : i32
    %get3A_992 = arith.index_cast %get3A_991 : i32 to index
    %get3A_993 = arith.constant 144 : index
    %get3A_994 = tpu.vector_load %arg7[%get3A_992, %get3A_993] {strides = array<i32>} : memref<16x256xf32, #tpu.memory_space<vmem>>, vector<1x16xf32>,
    %get3A_995 = vector.shape_cast %get3A_994 : vector<1x16xf32> to vector<16xf32>
    %add3A_996 = arith.addf %add3A_990, %get3A_995 : vector<16xf32>
    %get3A_997 = arith.constant 11 : i32
    %get3A_998 = arith.index_cast %get3A_997 : i32 to index
    %get3A_999 = arith.constant 144 : index
    %get3A_1000 = tpu.vector_load %arg7[%get3A_998, %get3A_999] {strides = array<i32>} : memref<16x256xf32, #tpu.memory_space<vmem>>, vector<1x16xf32>,
    %get3A_1001 = vector.shape_cast %get3A_1000 : vector<1x16xf32> to vector<16xf32>
    %add3A_1002 = arith.addf %add3A_996, %get3A_1001 : vector<16xf32>
    %get3A_1003 = arith.constant 12 : i32
    %get3A_1004 = arith.index_cast %get3A_1003 : i32 to index
    %get3A_1005 = arith.constant 144 : index
    %get3A_1006 = tpu.vector_load %arg7[%get3A_1004, %get3A_1005] {strides = array<i32>} : memref<16x256xf32, #tpu.memory_space<vmem>>, vector<1x16xf32>,
    %get3A_1007 = vector.shape_cast %get3A_1006 : vector<1x16xf32> to vector<16xf32>
    %add3A_1008 = arith.addf %add3A_1002, %get3A_1007 : vector<16xf32>
    %get3A_1009 = arith.constant 13 : i32
    %get3A_1010 = arith.index_cast %get3A_1009 : i32 to index
    %get3A_1011 = arith.constant 144 : index
    %get3A_1012 = tpu.vector_load %arg7[%get3A_1010, %get3A_1011] {strides = array<i32>} : memref<16x256xf32, #tpu.memory_space<vmem>>, vector<1x16xf32>,
    %get3A_1013 = vector.shape_cast %get3A_1012 : vector<1x16xf32> to vector<16xf32>
    %add3A_1014 = arith.addf %add3A_1008, %get3A_1013 : vector<16xf32>
    %get3A_1015 = arith.constant 14 : i32
    %get3A_1016 = arith.index_cast %get3A_1015 : i32 to index
    %get3A_1017 = arith.constant 144 : index
    %get3A_1018 = tpu.vector_load %arg7[%get3A_1016, %get3A_1017] {strides = array<i32>} : memref<16x256xf32, #tpu.memory_space<vmem>>, vector<1x16xf32>,
    %get3A_1019 = vector.shape_cast %get3A_1018 : vector<1x16xf32> to vector<16xf32>
    %add3A_1020 = arith.addf %add3A_1014, %get3A_1019 : vector<16xf32>
    %get3A_1021 = arith.constant 15 : i32
    %get3A_1022 = arith.index_cast %get3A_1021 : i32 to index
    %get3A_1023 = arith.constant 144 : index
    %get3A_1024 = tpu.vector_load %arg7[%get3A_1022, %get3A_1023] {strides = array<i32>} : memref<16x256xf32, #tpu.memory_space<vmem>>, vector<1x16xf32>,
    %get3A_1025 = vector.shape_cast %get3A_1024 : vector<1x16xf32> to vector<16xf32>
    %add3A_1026 = arith.addf %add3A_1020, %get3A_1025 : vector<16xf32>
    %swap3A_1027 = arith.constant 144 : index
    %swap3A_1028 = tpu.vector_load %arg8[%swap3A_1027] {strides = array<i32>} : memref<256xf32, #tpu.memory_space<vmem>>, vector<16xf32>,
    %swap3A_1029 = vector.shape_cast %swap3A_1028 : vector<16xf32> to vector<16xf32>
    %swap3A_1030 = vector.shape_cast %add3A_1026 : vector<16xf32> to vector<16xf32>
    tpu.vector_store %arg8[%swap3A_1027], %swap3A_1030 {strides = array<i32>} : memref<256xf32, #tpu.memory_space<vmem>>, vector<16xf32>,
    %get3A_1031 = arith.constant 160 : index
    %get3A_1032 = tpu.vector_load %arg8[%get3A_1031] {strides = array<i32>} : memref<256xf32, #tpu.memory_space<vmem>>, vector<16xf32>,
    %get3A_1033 = vector.shape_cast %get3A_1032 : vector<16xf32> to vector<16xf32>
    %get3A_1034 = arith.constant 0 : i32
    %get3A_1035 = arith.index_cast %get3A_1034 : i32 to index
    %get3A_1036 = arith.constant 160 : index
    %get3A_1037 = tpu.vector_load %arg7[%get3A_1035, %get3A_1036] {strides = array<i32>} : memref<16x256xf32, #tpu.memory_space<vmem>>, vector<1x16xf32>,
    %get3A_1038 = vector.shape_cast %get3A_1037 : vector<1x16xf32> to vector<16xf32>
    %add3A_1039 = arith.addf %get3A_1033, %get3A_1038 : vector<16xf32>
    %get3A_1040 = arith.constant 1 : i32
    %get3A_1041 = arith.index_cast %get3A_1040 : i32 to index
    %get3A_1042 = arith.constant 160 : index
    %get3A_1043 = tpu.vector_load %arg7[%get3A_1041, %get3A_1042] {strides = array<i32>} : memref<16x256xf32, #tpu.memory_space<vmem>>, vector<1x16xf32>,
    %get3A_1044 = vector.shape_cast %get3A_1043 : vector<1x16xf32> to vector<16xf32>
    %add3A_1045 = arith.addf %add3A_1039, %get3A_1044 : vector<16xf32>
    %get3A_1046 = arith.constant 2 : i32
    %get3A_1047 = arith.index_cast %get3A_1046 : i32 to index
    %get3A_1048 = arith.constant 160 : index
    %get3A_1049 = tpu.vector_load %arg7[%get3A_1047, %get3A_1048] {strides = array<i32>} : memref<16x256xf32, #tpu.memory_space<vmem>>, vector<1x16xf32>,
    %get3A_1050 = vector.shape_cast %get3A_1049 : vector<1x16xf32> to vector<16xf32>
    %add3A_1051 = arith.addf %add3A_1045, %get3A_1050 : vector<16xf32>
    %get3A_1052 = arith.constant 3 : i32
    %get3A_1053 = arith.index_cast %get3A_1052 : i32 to index
    %get3A_1054 = arith.constant 160 : index
    %get3A_1055 = tpu.vector_load %arg7[%get3A_1053, %get3A_1054] {strides = array<i32>} : memref<16x256xf32, #tpu.memory_space<vmem>>, vector<1x16xf32>,
    %get3A_1056 = vector.shape_cast %get3A_1055 : vector<1x16xf32> to vector<16xf32>
    %add3A_1057 = arith.addf %add3A_1051, %get3A_1056 : vector<16xf32>
    %get3A_1058 = arith.constant 4 : i32
    %get3A_1059 = arith.index_cast %get3A_1058 : i32 to index
    %get3A_1060 = arith.constant 160 : index
    %get3A_1061 = tpu.vector_load %arg7[%get3A_1059, %get3A_1060] {strides = array<i32>} : memref<16x256xf32, #tpu.memory_space<vmem>>, vector<1x16xf32>,
    %get3A_1062 = vector.shape_cast %get3A_1061 : vector<1x16xf32> to vector<16xf32>
    %add3A_1063 = arith.addf %add3A_1057, %get3A_1062 : vector<16xf32>
    %get3A_1064 = arith.constant 5 : i32
    %get3A_1065 = arith.index_cast %get3A_1064 : i32 to index
    %get3A_1066 = arith.constant 160 : index
    %get3A_1067 = tpu.vector_load %arg7[%get3A_1065, %get3A_1066] {strides = array<i32>} : memref<16x256xf32, #tpu.memory_space<vmem>>, vector<1x16xf32>,
    %get3A_1068 = vector.shape_cast %get3A_1067 : vector<1x16xf32> to vector<16xf32>
    %add3A_1069 = arith.addf %add3A_1063, %get3A_1068 : vector<16xf32>
    %get3A_1070 = arith.constant 6 : i32
    %get3A_1071 = arith.index_cast %get3A_1070 : i32 to index
    %get3A_1072 = arith.constant 160 : index
    %get3A_1073 = tpu.vector_load %arg7[%get3A_1071, %get3A_1072] {strides = array<i32>} : memref<16x256xf32, #tpu.memory_space<vmem>>, vector<1x16xf32>,
    %get3A_1074 = vector.shape_cast %get3A_1073 : vector<1x16xf32> to vector<16xf32>
    %add3A_1075 = arith.addf %add3A_1069, %get3A_1074 : vector<16xf32>
    %get3A_1076 = arith.constant 7 : i32
    %get3A_1077 = arith.index_cast %get3A_1076 : i32 to index
    %get3A_1078 = arith.constant 160 : index
    %get3A_1079 = tpu.vector_load %arg7[%get3A_1077, %get3A_1078] {strides = array<i32>} : memref<16x256xf32, #tpu.memory_space<vmem>>, vector<1x16xf32>,
    %get3A_1080 = vector.shape_cast %get3A_1079 : vector<1x16xf32> to vector<16xf32>
    %add3A_1081 = arith.addf %add3A_1075, %get3A_1080 : vector<16xf32>
    %get3A_1082 = arith.constant 8 : i32
    %get3A_1083 = arith.index_cast %get3A_1082 : i32 to index
    %get3A_1084 = arith.constant 160 : index
    %get3A_1085 = tpu.vector_load %arg7[%get3A_1083, %get3A_1084] {strides = array<i32>} : memref<16x256xf32, #tpu.memory_space<vmem>>, vector<1x16xf32>,
    %get3A_1086 = vector.shape_cast %get3A_1085 : vector<1x16xf32> to vector<16xf32>
    %add3A_1087 = arith.addf %add3A_1081, %get3A_1086 : vector<16xf32>
    %get3A_1088 = arith.constant 9 : i32
    %get3A_1089 = arith.index_cast %get3A_1088 : i32 to index
    %get3A_1090 = arith.constant 160 : index
    %get3A_1091 = tpu.vector_load %arg7[%get3A_1089, %get3A_1090] {strides = array<i32>} : memref<16x256xf32, #tpu.memory_space<vmem>>, vector<1x16xf32>,
    %get3A_1092 = vector.shape_cast %get3A_1091 : vector<1x16xf32> to vector<16xf32>
    %add3A_1093 = arith.addf %add3A_1087, %get3A_1092 : vector<16xf32>
    %get3A_1094 = arith.constant 10 : i32
    %get3A_1095 = arith.index_cast %get3A_1094 : i32 to index
    %get3A_1096 = arith.constant 160 : index
    %get3A_1097 = tpu.vector_load %arg7[%get3A_1095, %get3A_1096] {strides = array<i32>} : memref<16x256xf32, #tpu.memory_space<vmem>>, vector<1x16xf32>,
    %get3A_1098 = vector.shape_cast %get3A_1097 : vector<1x16xf32> to vector<16xf32>
    %add3A_1099 = arith.addf %add3A_1093, %get3A_1098 : vector<16xf32>
    %get3A_1100 = arith.constant 11 : i32
    %get3A_1101 = arith.index_cast %get3A_1100 : i32 to index
    %get3A_1102 = arith.constant 160 : index
    %get3A_1103 = tpu.vector_load %arg7[%get3A_1101, %get3A_1102] {strides = array<i32>} : memref<16x256xf32, #tpu.memory_space<vmem>>, vector<1x16xf32>,
    %get3A_1104 = vector.shape_cast %get3A_1103 : vector<1x16xf32> to vector<16xf32>
    %add3A_1105 = arith.addf %add3A_1099, %get3A_1104 : vector<16xf32>
    %get3A_1106 = arith.constant 12 : i32
    %get3A_1107 = arith.index_cast %get3A_1106 : i32 to index
    %get3A_1108 = arith.constant 160 : index
    %get3A_1109 = tpu.vector_load %arg7[%get3A_1107, %get3A_1108] {strides = array<i32>} : memref<16x256xf32, #tpu.memory_space<vmem>>, vector<1x16xf32>,
    %get3A_1110 = vector.shape_cast %get3A_1109 : vector<1x16xf32> to vector<16xf32>
    %add3A_1111 = arith.addf %add3A_1105, %get3A_1110 : vector<16xf32>
    %get3A_1112 = arith.constant 13 : i32
    %get3A_1113 = arith.index_cast %get3A_1112 : i32 to index
    %get3A_1114 = arith.constant 160 : index
    %get3A_1115 = tpu.vector_load %arg7[%get3A_1113, %get3A_1114] {strides = array<i32>} : memref<16x256xf32, #tpu.memory_space<vmem>>, vector<1x16xf32>,
    %get3A_1116 = vector.shape_cast %get3A_1115 : vector<1x16xf32> to vector<16xf32>
    %add3A_1117 = arith.addf %add3A_1111, %get3A_1116 : vector<16xf32>
    %get3A_1118 = arith.constant 14 : i32
    %get3A_1119 = arith.index_cast %get3A_1118 : i32 to index
    %get3A_1120 = arith.constant 160 : index
    %get3A_1121 = tpu.vector_load %arg7[%get3A_1119, %get3A_1120] {strides = array<i32>} : memref<16x256xf32, #tpu.memory_space<vmem>>, vector<1x16xf32>,
    %get3A_1122 = vector.shape_cast %get3A_1121 : vector<1x16xf32> to vector<16xf32>
    %add3A_1123 = arith.addf %add3A_1117, %get3A_1122 : vector<16xf32>
    %get3A_1124 = arith.constant 15 : i32
    %get3A_1125 = arith.index_cast %get3A_1124 : i32 to index
    %get3A_1126 = arith.constant 160 : index
    %get3A_1127 = tpu.vector_load %arg7[%get3A_1125, %get3A_1126] {strides = array<i32>} : memref<16x256xf32, #tpu.memory_space<vmem>>, vector<1x16xf32>,
    %get3A_1128 = vector.shape_cast %get3A_1127 : vector<1x16xf32> to vector<16xf32>
    %add3A_1129 = arith.addf %add3A_1123, %get3A_1128 : vector<16xf32>
    %swap3A_1130 = arith.constant 160 : index
    %swap3A_1131 = tpu.vector_load %arg8[%swap3A_1130] {strides = array<i32>} : memref<256xf32, #tpu.memory_space<vmem>>, vector<16xf32>,
    %swap3A_1132 = vector.shape_cast %swap3A_1131 : vector<16xf32> to vector<16xf32>
    %swap3A_1133 = vector.shape_cast %add3A_1129 : vector<16xf32> to vector<16xf32>
    tpu.vector_store %arg8[%swap3A_1130], %swap3A_1133 {strides = array<i32>} : memref<256xf32, #tpu.memory_space<vmem>>, vector<16xf32>,
    %get3A_1134 = arith.constant 176 : index
    %get3A_1135 = tpu.vector_load %arg8[%get3A_1134] {strides = array<i32>} : memref<256xf32, #tpu.memory_space<vmem>>, vector<16xf32>,
    %get3A_1136 = vector.shape_cast %get3A_1135 : vector<16xf32> to vector<16xf32>
    %get3A_1137 = arith.constant 0 : i32
    %get3A_1138 = arith.index_cast %get3A_1137 : i32 to index
    %get3A_1139 = arith.constant 176 : index
    %get3A_1140 = tpu.vector_load %arg7[%get3A_1138, %get3A_1139] {strides = array<i32>} : memref<16x256xf32, #tpu.memory_space<vmem>>, vector<1x16xf32>,
    %get3A_1141 = vector.shape_cast %get3A_1140 : vector<1x16xf32> to vector<16xf32>
    %add3A_1142 = arith.addf %get3A_1136, %get3A_1141 : vector<16xf32>
    %get3A_1143 = arith.constant 1 : i32
    %get3A_1144 = arith.index_cast %get3A_1143 : i32 to index
    %get3A_1145 = arith.constant 176 : index
    %get3A_1146 = tpu.vector_load %arg7[%get3A_1144, %get3A_1145] {strides = array<i32>} : memref<16x256xf32, #tpu.memory_space<vmem>>, vector<1x16xf32>,
    %get3A_1147 = vector.shape_cast %get3A_1146 : vector<1x16xf32> to vector<16xf32>
    %add3A_1148 = arith.addf %add3A_1142, %get3A_1147 : vector<16xf32>
    %get3A_1149 = arith.constant 2 : i32
    %get3A_1150 = arith.index_cast %get3A_1149 : i32 to index
    %get3A_1151 = arith.constant 176 : index
    %get3A_1152 = tpu.vector_load %arg7[%get3A_1150, %get3A_1151] {strides = array<i32>} : memref<16x256xf32, #tpu.memory_space<vmem>>, vector<1x16xf32>,
    %get3A_1153 = vector.shape_cast %get3A_1152 : vector<1x16xf32> to vector<16xf32>
    %add3A_1154 = arith.addf %add3A_1148, %get3A_1153 : vector<16xf32>
    %get3A_1155 = arith.constant 3 : i32
    %get3A_1156 = arith.index_cast %get3A_1155 : i32 to index
    %get3A_1157 = arith.constant 176 : index
    %get3A_1158 = tpu.vector_load %arg7[%get3A_1156, %get3A_1157] {strides = array<i32>} : memref<16x256xf32, #tpu.memory_space<vmem>>, vector<1x16xf32>,
    %get3A_1159 = vector.shape_cast %get3A_1158 : vector<1x16xf32> to vector<16xf32>
    %add3A_1160 = arith.addf %add3A_1154, %get3A_1159 : vector<16xf32>
    %get3A_1161 = arith.constant 4 : i32
    %get3A_1162 = arith.index_cast %get3A_1161 : i32 to index
    %get3A_1163 = arith.constant 176 : index
    %get3A_1164 = tpu.vector_load %arg7[%get3A_1162, %get3A_1163] {strides = array<i32>} : memref<16x256xf32, #tpu.memory_space<vmem>>, vector<1x16xf32>,
    %get3A_1165 = vector.shape_cast %get3A_1164 : vector<1x16xf32> to vector<16xf32>
    %add3A_1166 = arith.addf %add3A_1160, %get3A_1165 : vector<16xf32>
    %get3A_1167 = arith.constant 5 : i32
    %get3A_1168 = arith.index_cast %get3A_1167 : i32 to index
    %get3A_1169 = arith.constant 176 : index
    %get3A_1170 = tpu.vector_load %arg7[%get3A_1168, %get3A_1169] {strides = array<i32>} : memref<16x256xf32, #tpu.memory_space<vmem>>, vector<1x16xf32>,
    %get3A_1171 = vector.shape_cast %get3A_1170 : vector<1x16xf32> to vector<16xf32>
    %add3A_1172 = arith.addf %add3A_1166, %get3A_1171 : vector<16xf32>
    %get3A_1173 = arith.constant 6 : i32
    %get3A_1174 = arith.index_cast %get3A_1173 : i32 to index
    %get3A_1175 = arith.constant 176 : index
    %get3A_1176 = tpu.vector_load %arg7[%get3A_1174, %get3A_1175] {strides = array<i32>} : memref<16x256xf32, #tpu.memory_space<vmem>>, vector<1x16xf32>,
    %get3A_1177 = vector.shape_cast %get3A_1176 : vector<1x16xf32> to vector<16xf32>
    %add3A_1178 = arith.addf %add3A_1172, %get3A_1177 : vector<16xf32>
    %get3A_1179 = arith.constant 7 : i32
    %get3A_1180 = arith.index_cast %get3A_1179 : i32 to index
    %get3A_1181 = arith.constant 176 : index
    %get3A_1182 = tpu.vector_load %arg7[%get3A_1180, %get3A_1181] {strides = array<i32>} : memref<16x256xf32, #tpu.memory_space<vmem>>, vector<1x16xf32>,
    %get3A_1183 = vector.shape_cast %get3A_1182 : vector<1x16xf32> to vector<16xf32>
    %add3A_1184 = arith.addf %add3A_1178, %get3A_1183 : vector<16xf32>
    %get3A_1185 = arith.constant 8 : i32
    %get3A_1186 = arith.index_cast %get3A_1185 : i32 to index
    %get3A_1187 = arith.constant 176 : index
    %get3A_1188 = tpu.vector_load %arg7[%get3A_1186, %get3A_1187] {strides = array<i32>} : memref<16x256xf32, #tpu.memory_space<vmem>>, vector<1x16xf32>,
    %get3A_1189 = vector.shape_cast %get3A_1188 : vector<1x16xf32> to vector<16xf32>
    %add3A_1190 = arith.addf %add3A_1184, %get3A_1189 : vector<16xf32>
    %get3A_1191 = arith.constant 9 : i32
    %get3A_1192 = arith.index_cast %get3A_1191 : i32 to index
    %get3A_1193 = arith.constant 176 : index
    %get3A_1194 = tpu.vector_load %arg7[%get3A_1192, %get3A_1193] {strides = array<i32>} : memref<16x256xf32, #tpu.memory_space<vmem>>, vector<1x16xf32>,
    %get3A_1195 = vector.shape_cast %get3A_1194 : vector<1x16xf32> to vector<16xf32>
    %add3A_1196 = arith.addf %add3A_1190, %get3A_1195 : vector<16xf32>
    %get3A_1197 = arith.constant 10 : i32
    %get3A_1198 = arith.index_cast %get3A_1197 : i32 to index
    %get3A_1199 = arith.constant 176 : index
    %get3A_1200 = tpu.vector_load %arg7[%get3A_1198, %get3A_1199] {strides = array<i32>} : memref<16x256xf32, #tpu.memory_space<vmem>>, vector<1x16xf32>,
    %get3A_1201 = vector.shape_cast %get3A_1200 : vector<1x16xf32> to vector<16xf32>
    %add3A_1202 = arith.addf %add3A_1196, %get3A_1201 : vector<16xf32>
    %get3A_1203 = arith.constant 11 : i32
    %get3A_1204 = arith.index_cast %get3A_1203 : i32 to index
    %get3A_1205 = arith.constant 176 : index
    %get3A_1206 = tpu.vector_load %arg7[%get3A_1204, %get3A_1205] {strides = array<i32>} : memref<16x256xf32, #tpu.memory_space<vmem>>, vector<1x16xf32>,
    %get3A_1207 = vector.shape_cast %get3A_1206 : vector<1x16xf32> to vector<16xf32>
    %add3A_1208 = arith.addf %add3A_1202, %get3A_1207 : vector<16xf32>
    %get3A_1209 = arith.constant 12 : i32
    %get3A_1210 = arith.index_cast %get3A_1209 : i32 to index
    %get3A_1211 = arith.constant 176 : index
    %get3A_1212 = tpu.vector_load %arg7[%get3A_1210, %get3A_1211] {strides = array<i32>} : memref<16x256xf32, #tpu.memory_space<vmem>>, vector<1x16xf32>,
    %get3A_1213 = vector.shape_cast %get3A_1212 : vector<1x16xf32> to vector<16xf32>
    %add3A_1214 = arith.addf %add3A_1208, %get3A_1213 : vector<16xf32>
    %get3A_1215 = arith.constant 13 : i32
    %get3A_1216 = arith.index_cast %get3A_1215 : i32 to index
    %get3A_1217 = arith.constant 176 : index
    %get3A_1218 = tpu.vector_load %arg7[%get3A_1216, %get3A_1217] {strides = array<i32>} : memref<16x256xf32, #tpu.memory_space<vmem>>, vector<1x16xf32>,
    %get3A_1219 = vector.shape_cast %get3A_1218 : vector<1x16xf32> to vector<16xf32>
    %add3A_1220 = arith.addf %add3A_1214, %get3A_1219 : vector<16xf32>
    %get3A_1221 = arith.constant 14 : i32
    %get3A_1222 = arith.index_cast %get3A_1221 : i32 to index
    %get3A_1223 = arith.constant 176 : index
    %get3A_1224 = tpu.vector_load %arg7[%get3A_1222, %get3A_1223] {strides = array<i32>} : memref<16x256xf32, #tpu.memory_space<vmem>>, vector<1x16xf32>,
    %get3A_1225 = vector.shape_cast %get3A_1224 : vector<1x16xf32> to vector<16xf32>
    %add3A_1226 = arith.addf %add3A_1220, %get3A_1225 : vector<16xf32>
    %get3A_1227 = arith.constant 15 : i32
    %get3A_1228 = arith.index_cast %get3A_1227 : i32 to index
    %get3A_1229 = arith.constant 176 : index
    %get3A_1230 = tpu.vector_load %arg7[%get3A_1228, %get3A_1229] {strides = array<i32>} : memref<16x256xf32, #tpu.memory_space<vmem>>, vector<1x16xf32>,
    %get3A_1231 = vector.shape_cast %get3A_1230 : vector<1x16xf32> to vector<16xf32>
    %add3A_1232 = arith.addf %add3A_1226, %get3A_1231 : vector<16xf32>
    %swap3A_1233 = arith.constant 176 : index
    %swap3A_1234 = tpu.vector_load %arg8[%swap3A_1233] {strides = array<i32>} : memref<256xf32, #tpu.memory_space<vmem>>, vector<16xf32>,
    %swap3A_1235 = vector.shape_cast %swap3A_1234 : vector<16xf32> to vector<16xf32>
    %swap3A_1236 = vector.shape_cast %add3A_1232 : vector<16xf32> to vector<16xf32>
    tpu.vector_store %arg8[%swap3A_1233], %swap3A_1236 {strides = array<i32>} : memref<256xf32, #tpu.memory_space<vmem>>, vector<16xf32>,
    %get3A_1237 = arith.constant 192 : index
    %get3A_1238 = tpu.vector_load %arg8[%get3A_1237] {strides = array<i32>} : memref<256xf32, #tpu.memory_space<vmem>>, vector<16xf32>,
    %get3A_1239 = vector.shape_cast %get3A_1238 : vector<16xf32> to vector<16xf32>
    %get3A_1240 = arith.constant 0 : i32
    %get3A_1241 = arith.index_cast %get3A_1240 : i32 to index
    %get3A_1242 = arith.constant 192 : index
    %get3A_1243 = tpu.vector_load %arg7[%get3A_1241, %get3A_1242] {strides = array<i32>} : memref<16x256xf32, #tpu.memory_space<vmem>>, vector<1x16xf32>,
    %get3A_1244 = vector.shape_cast %get3A_1243 : vector<1x16xf32> to vector<16xf32>
    %add3A_1245 = arith.addf %get3A_1239, %get3A_1244 : vector<16xf32>
    %get3A_1246 = arith.constant 1 : i32
    %get3A_1247 = arith.index_cast %get3A_1246 : i32 to index
    %get3A_1248 = arith.constant 192 : index
    %get3A_1249 = tpu.vector_load %arg7[%get3A_1247, %get3A_1248] {strides = array<i32>} : memref<16x256xf32, #tpu.memory_space<vmem>>, vector<1x16xf32>,
    %get3A_1250 = vector.shape_cast %get3A_1249 : vector<1x16xf32> to vector<16xf32>
    %add3A_1251 = arith.addf %add3A_1245, %get3A_1250 : vector<16xf32>
    %get3A_1252 = arith.constant 2 : i32
    %get3A_1253 = arith.index_cast %get3A_1252 : i32 to index
    %get3A_1254 = arith.constant 192 : index
    %get3A_1255 = tpu.vector_load %arg7[%get3A_1253, %get3A_1254] {strides = array<i32>} : memref<16x256xf32, #tpu.memory_space<vmem>>, vector<1x16xf32>,
    %get3A_1256 = vector.shape_cast %get3A_1255 : vector<1x16xf32> to vector<16xf32>
    %add3A_1257 = arith.addf %add3A_1251, %get3A_1256 : vector<16xf32>
    %get3A_1258 = arith.constant 3 : i32
    %get3A_1259 = arith.index_cast %get3A_1258 : i32 to index
    %get3A_1260 = arith.constant 192 : index
    %get3A_1261 = tpu.vector_load %arg7[%get3A_1259, %get3A_1260] {strides = array<i32>} : memref<16x256xf32, #tpu.memory_space<vmem>>, vector<1x16xf32>,
    %get3A_1262 = vector.shape_cast %get3A_1261 : vector<1x16xf32> to vector<16xf32>
    %add3A_1263 = arith.addf %add3A_1257, %get3A_1262 : vector<16xf32>
    %get3A_1264 = arith.constant 4 : i32
    %get3A_1265 = arith.index_cast %get3A_1264 : i32 to index
    %get3A_1266 = arith.constant 192 : index
    %get3A_1267 = tpu.vector_load %arg7[%get3A_1265, %get3A_1266] {strides = array<i32>} : memref<16x256xf32, #tpu.memory_space<vmem>>, vector<1x16xf32>,
    %get3A_1268 = vector.shape_cast %get3A_1267 : vector<1x16xf32> to vector<16xf32>
    %add3A_1269 = arith.addf %add3A_1263, %get3A_1268 : vector<16xf32>
    %get3A_1270 = arith.constant 5 : i32
    %get3A_1271 = arith.index_cast %get3A_1270 : i32 to index
    %get3A_1272 = arith.constant 192 : index
    %get3A_1273 = tpu.vector_load %arg7[%get3A_1271, %get3A_1272] {strides = array<i32>} : memref<16x256xf32, #tpu.memory_space<vmem>>, vector<1x16xf32>,
    %get3A_1274 = vector.shape_cast %get3A_1273 : vector<1x16xf32> to vector<16xf32>
    %add3A_1275 = arith.addf %add3A_1269, %get3A_1274 : vector<16xf32>
    %get3A_1276 = arith.constant 6 : i32
    %get3A_1277 = arith.index_cast %get3A_1276 : i32 to index
    %get3A_1278 = arith.constant 192 : index
    %get3A_1279 = tpu.vector_load %arg7[%get3A_1277, %get3A_1278] {strides = array<i32>} : memref<16x256xf32, #tpu.memory_space<vmem>>, vector<1x16xf32>,
    %get3A_1280 = vector.shape_cast %get3A_1279 : vector<1x16xf32> to vector<16xf32>
    %add3A_1281 = arith.addf %add3A_1275, %get3A_1280 : vector<16xf32>
    %get3A_1282 = arith.constant 7 : i32
    %get3A_1283 = arith.index_cast %get3A_1282 : i32 to index
    %get3A_1284 = arith.constant 192 : index
    %get3A_1285 = tpu.vector_load %arg7[%get3A_1283, %get3A_1284] {strides = array<i32>} : memref<16x256xf32, #tpu.memory_space<vmem>>, vector<1x16xf32>,
    %get3A_1286 = vector.shape_cast %get3A_1285 : vector<1x16xf32> to vector<16xf32>
    %add3A_1287 = arith.addf %add3A_1281, %get3A_1286 : vector<16xf32>
    %get3A_1288 = arith.constant 8 : i32
    %get3A_1289 = arith.index_cast %get3A_1288 : i32 to index
    %get3A_1290 = arith.constant 192 : index
    %get3A_1291 = tpu.vector_load %arg7[%get3A_1289, %get3A_1290] {strides = array<i32>} : memref<16x256xf32, #tpu.memory_space<vmem>>, vector<1x16xf32>,
    %get3A_1292 = vector.shape_cast %get3A_1291 : vector<1x16xf32> to vector<16xf32>
    %add3A_1293 = arith.addf %add3A_1287, %get3A_1292 : vector<16xf32>
    %get3A_1294 = arith.constant 9 : i32
    %get3A_1295 = arith.index_cast %get3A_1294 : i32 to index
    %get3A_1296 = arith.constant 192 : index
    %get3A_1297 = tpu.vector_load %arg7[%get3A_1295, %get3A_1296] {strides = array<i32>} : memref<16x256xf32, #tpu.memory_space<vmem>>, vector<1x16xf32>,
    %get3A_1298 = vector.shape_cast %get3A_1297 : vector<1x16xf32> to vector<16xf32>
    %add3A_1299 = arith.addf %add3A_1293, %get3A_1298 : vector<16xf32>
    %get3A_1300 = arith.constant 10 : i32
    %get3A_1301 = arith.index_cast %get3A_1300 : i32 to index
    %get3A_1302 = arith.constant 192 : index
    %get3A_1303 = tpu.vector_load %arg7[%get3A_1301, %get3A_1302] {strides = array<i32>} : memref<16x256xf32, #tpu.memory_space<vmem>>, vector<1x16xf32>,
    %get3A_1304 = vector.shape_cast %get3A_1303 : vector<1x16xf32> to vector<16xf32>
    %add3A_1305 = arith.addf %add3A_1299, %get3A_1304 : vector<16xf32>
    %get3A_1306 = arith.constant 11 : i32
    %get3A_1307 = arith.index_cast %get3A_1306 : i32 to index
    %get3A_1308 = arith.constant 192 : index
    %get3A_1309 = tpu.vector_load %arg7[%get3A_1307, %get3A_1308] {strides = array<i32>} : memref<16x256xf32, #tpu.memory_space<vmem>>, vector<1x16xf32>,
    %get3A_1310 = vector.shape_cast %get3A_1309 : vector<1x16xf32> to vector<16xf32>
    %add3A_1311 = arith.addf %add3A_1305, %get3A_1310 : vector<16xf32>
    %get3A_1312 = arith.constant 12 : i32
    %get3A_1313 = arith.index_cast %get3A_1312 : i32 to index
    %get3A_1314 = arith.constant 192 : index
    %get3A_1315 = tpu.vector_load %arg7[%get3A_1313, %get3A_1314] {strides = array<i32>} : memref<16x256xf32, #tpu.memory_space<vmem>>, vector<1x16xf32>,
    %get3A_1316 = vector.shape_cast %get3A_1315 : vector<1x16xf32> to vector<16xf32>
    %add3A_1317 = arith.addf %add3A_1311, %get3A_1316 : vector<16xf32>
    %get3A_1318 = arith.constant 13 : i32
    %get3A_1319 = arith.index_cast %get3A_1318 : i32 to index
    %get3A_1320 = arith.constant 192 : index
    %get3A_1321 = tpu.vector_load %arg7[%get3A_1319, %get3A_1320] {strides = array<i32>} : memref<16x256xf32, #tpu.memory_space<vmem>>, vector<1x16xf32>,
    %get3A_1322 = vector.shape_cast %get3A_1321 : vector<1x16xf32> to vector<16xf32>
    %add3A_1323 = arith.addf %add3A_1317, %get3A_1322 : vector<16xf32>
    %get3A_1324 = arith.constant 14 : i32
    %get3A_1325 = arith.index_cast %get3A_1324 : i32 to index
    %get3A_1326 = arith.constant 192 : index
    %get3A_1327 = tpu.vector_load %arg7[%get3A_1325, %get3A_1326] {strides = array<i32>} : memref<16x256xf32, #tpu.memory_space<vmem>>, vector<1x16xf32>,
    %get3A_1328 = vector.shape_cast %get3A_1327 : vector<1x16xf32> to vector<16xf32>
    %add3A_1329 = arith.addf %add3A_1323, %get3A_1328 : vector<16xf32>
    %get3A_1330 = arith.constant 15 : i32
    %get3A_1331 = arith.index_cast %get3A_1330 : i32 to index
    %get3A_1332 = arith.constant 192 : index
    %get3A_1333 = tpu.vector_load %arg7[%get3A_1331, %get3A_1332] {strides = array<i32>} : memref<16x256xf32, #tpu.memory_space<vmem>>, vector<1x16xf32>,
    %get3A_1334 = vector.shape_cast %get3A_1333 : vector<1x16xf32> to vector<16xf32>
    %add3A_1335 = arith.addf %add3A_1329, %get3A_1334 : vector<16xf32>
    %swap3A_1336 = arith.constant 192 : index
    %swap3A_1337 = tpu.vector_load %arg8[%swap3A_1336] {strides = array<i32>} : memref<256xf32, #tpu.memory_space<vmem>>, vector<16xf32>,
    %swap3A_1338 = vector.shape_cast %swap3A_1337 : vector<16xf32> to vector<16xf32>
    %swap3A_1339 = vector.shape_cast %add3A_1335 : vector<16xf32> to vector<16xf32>
    tpu.vector_store %arg8[%swap3A_1336], %swap3A_1339 {strides = array<i32>} : memref<256xf32, #tpu.memory_space<vmem>>, vector<16xf32>,
    %get3A_1340 = arith.constant 208 : index
    %get3A_1341 = tpu.vector_load %arg8[%get3A_1340] {strides = array<i32>} : memref<256xf32, #tpu.memory_space<vmem>>, vector<16xf32>,
    %get3A_1342 = vector.shape_cast %get3A_1341 : vector<16xf32> to vector<16xf32>
    %get3A_1343 = arith.constant 0 : i32
    %get3A_1344 = arith.index_cast %get3A_1343 : i32 to index
    %get3A_1345 = arith.constant 208 : index
    %get3A_1346 = tpu.vector_load %arg7[%get3A_1344, %get3A_1345] {strides = array<i32>} : memref<16x256xf32, #tpu.memory_space<vmem>>, vector<1x16xf32>,
    %get3A_1347 = vector.shape_cast %get3A_1346 : vector<1x16xf32> to vector<16xf32>
    %add3A_1348 = arith.addf %get3A_1342, %get3A_1347 : vector<16xf32>
    %get3A_1349 = arith.constant 1 : i32
    %get3A_1350 = arith.index_cast %get3A_1349 : i32 to index
    %get3A_1351 = arith.constant 208 : index
    %get3A_1352 = tpu.vector_load %arg7[%get3A_1350, %get3A_1351] {strides = array<i32>} : memref<16x256xf32, #tpu.memory_space<vmem>>, vector<1x16xf32>,
    %get3A_1353 = vector.shape_cast %get3A_1352 : vector<1x16xf32> to vector<16xf32>
    %add3A_1354 = arith.addf %add3A_1348, %get3A_1353 : vector<16xf32>
    %get3A_1355 = arith.constant 2 : i32
    %get3A_1356 = arith.index_cast %get3A_1355 : i32 to index
    %get3A_1357 = arith.constant 208 : index
    %get3A_1358 = tpu.vector_load %arg7[%get3A_1356, %get3A_1357] {strides = array<i32>} : memref<16x256xf32, #tpu.memory_space<vmem>>, vector<1x16xf32>,
    %get3A_1359 = vector.shape_cast %get3A_1358 : vector<1x16xf32> to vector<16xf32>
    %add3A_1360 = arith.addf %add3A_1354, %get3A_1359 : vector<16xf32>
    %get3A_1361 = arith.constant 3 : i32
    %get3A_1362 = arith.index_cast %get3A_1361 : i32 to index
    %get3A_1363 = arith.constant 208 : index
    %get3A_1364 = tpu.vector_load %arg7[%get3A_1362, %get3A_1363] {strides = array<i32>} : memref<16x256xf32, #tpu.memory_space<vmem>>, vector<1x16xf32>,
    %get3A_1365 = vector.shape_cast %get3A_1364 : vector<1x16xf32> to vector<16xf32>
    %add3A_1366 = arith.addf %add3A_1360, %get3A_1365 : vector<16xf32>
    %get3A_1367 = arith.constant 4 : i32
    %get3A_1368 = arith.index_cast %get3A_1367 : i32 to index
    %get3A_1369 = arith.constant 208 : index
    %get3A_1370 = tpu.vector_load %arg7[%get3A_1368, %get3A_1369] {strides = array<i32>} : memref<16x256xf32, #tpu.memory_space<vmem>>, vector<1x16xf32>,
    %get3A_1371 = vector.shape_cast %get3A_1370 : vector<1x16xf32> to vector<16xf32>
    %add3A_1372 = arith.addf %add3A_1366, %get3A_1371 : vector<16xf32>
    %get3A_1373 = arith.constant 5 : i32
    %get3A_1374 = arith.index_cast %get3A_1373 : i32 to index
    %get3A_1375 = arith.constant 208 : index
    %get3A_1376 = tpu.vector_load %arg7[%get3A_1374, %get3A_1375] {strides = array<i32>} : memref<16x256xf32, #tpu.memory_space<vmem>>, vector<1x16xf32>,
    %get3A_1377 = vector.shape_cast %get3A_1376 : vector<1x16xf32> to vector<16xf32>
    %add3A_1378 = arith.addf %add3A_1372, %get3A_1377 : vector<16xf32>
    %get3A_1379 = arith.constant 6 : i32
    %get3A_1380 = arith.index_cast %get3A_1379 : i32 to index
    %get3A_1381 = arith.constant 208 : index
    %get3A_1382 = tpu.vector_load %arg7[%get3A_1380, %get3A_1381] {strides = array<i32>} : memref<16x256xf32, #tpu.memory_space<vmem>>, vector<1x16xf32>,
    %get3A_1383 = vector.shape_cast %get3A_1382 : vector<1x16xf32> to vector<16xf32>
    %add3A_1384 = arith.addf %add3A_1378, %get3A_1383 : vector<16xf32>
    %get3A_1385 = arith.constant 7 : i32
    %get3A_1386 = arith.index_cast %get3A_1385 : i32 to index
    %get3A_1387 = arith.constant 208 : index
    %get3A_1388 = tpu.vector_load %arg7[%get3A_1386, %get3A_1387] {strides = array<i32>} : memref<16x256xf32, #tpu.memory_space<vmem>>, vector<1x16xf32>,
    %get3A_1389 = vector.shape_cast %get3A_1388 : vector<1x16xf32> to vector<16xf32>
    %add3A_1390 = arith.addf %add3A_1384, %get3A_1389 : vector<16xf32>
    %get3A_1391 = arith.constant 8 : i32
    %get3A_1392 = arith.index_cast %get3A_1391 : i32 to index
    %get3A_1393 = arith.constant 208 : index
    %get3A_1394 = tpu.vector_load %arg7[%get3A_1392, %get3A_1393] {strides = array<i32>} : memref<16x256xf32, #tpu.memory_space<vmem>>, vector<1x16xf32>,
    %get3A_1395 = vector.shape_cast %get3A_1394 : vector<1x16xf32> to vector<16xf32>
    %add3A_1396 = arith.addf %add3A_1390, %get3A_1395 : vector<16xf32>
    %get3A_1397 = arith.constant 9 : i32
    %get3A_1398 = arith.index_cast %get3A_1397 : i32 to index
    %get3A_1399 = arith.constant 208 : index
    %get3A_1400 = tpu.vector_load %arg7[%get3A_1398, %get3A_1399] {strides = array<i32>} : memref<16x256xf32, #tpu.memory_space<vmem>>, vector<1x16xf32>,
    %get3A_1401 = vector.shape_cast %get3A_1400 : vector<1x16xf32> to vector<16xf32>
    %add3A_1402 = arith.addf %add3A_1396, %get3A_1401 : vector<16xf32>
    %get3A_1403 = arith.constant 10 : i32
    %get3A_1404 = arith.index_cast %get3A_1403 : i32 to index
    %get3A_1405 = arith.constant 208 : index
    %get3A_1406 = tpu.vector_load %arg7[%get3A_1404, %get3A_1405] {strides = array<i32>} : memref<16x256xf32, #tpu.memory_space<vmem>>, vector<1x16xf32>,
    %get3A_1407 = vector.shape_cast %get3A_1406 : vector<1x16xf32> to vector<16xf32>
    %add3A_1408 = arith.addf %add3A_1402, %get3A_1407 : vector<16xf32>
    %get3A_1409 = arith.constant 11 : i32
    %get3A_1410 = arith.index_cast %get3A_1409 : i32 to index
    %get3A_1411 = arith.constant 208 : index
    %get3A_1412 = tpu.vector_load %arg7[%get3A_1410, %get3A_1411] {strides = array<i32>} : memref<16x256xf32, #tpu.memory_space<vmem>>, vector<1x16xf32>,
    %get3A_1413 = vector.shape_cast %get3A_1412 : vector<1x16xf32> to vector<16xf32>
    %add3A_1414 = arith.addf %add3A_1408, %get3A_1413 : vector<16xf32>
    %get3A_1415 = arith.constant 12 : i32
    %get3A_1416 = arith.index_cast %get3A_1415 : i32 to index
    %get3A_1417 = arith.constant 208 : index
    %get3A_1418 = tpu.vector_load %arg7[%get3A_1416, %get3A_1417] {strides = array<i32>} : memref<16x256xf32, #tpu.memory_space<vmem>>, vector<1x16xf32>,
    %get3A_1419 = vector.shape_cast %get3A_1418 : vector<1x16xf32> to vector<16xf32>
    %add3A_1420 = arith.addf %add3A_1414, %get3A_1419 : vector<16xf32>
    %get3A_1421 = arith.constant 13 : i32
    %get3A_1422 = arith.index_cast %get3A_1421 : i32 to index
    %get3A_1423 = arith.constant 208 : index
    %get3A_1424 = tpu.vector_load %arg7[%get3A_1422, %get3A_1423] {strides = array<i32>} : memref<16x256xf32, #tpu.memory_space<vmem>>, vector<1x16xf32>,
    %get3A_1425 = vector.shape_cast %get3A_1424 : vector<1x16xf32> to vector<16xf32>
    %add3A_1426 = arith.addf %add3A_1420, %get3A_1425 : vector<16xf32>
    %get3A_1427 = arith.constant 14 : i32
    %get3A_1428 = arith.index_cast %get3A_1427 : i32 to index
    %get3A_1429 = arith.constant 208 : index
    %get3A_1430 = tpu.vector_load %arg7[%get3A_1428, %get3A_1429] {strides = array<i32>} : memref<16x256xf32, #tpu.memory_space<vmem>>, vector<1x16xf32>,
    %get3A_1431 = vector.shape_cast %get3A_1430 : vector<1x16xf32> to vector<16xf32>
    %add3A_1432 = arith.addf %add3A_1426, %get3A_1431 : vector<16xf32>
    %get3A_1433 = arith.constant 15 : i32
    %get3A_1434 = arith.index_cast %get3A_1433 : i32 to index
    %get3A_1435 = arith.constant 208 : index
    %get3A_1436 = tpu.vector_load %arg7[%get3A_1434, %get3A_1435] {strides = array<i32>} : memref<16x256xf32, #tpu.memory_space<vmem>>, vector<1x16xf32>,
    %get3A_1437 = vector.shape_cast %get3A_1436 : vector<1x16xf32> to vector<16xf32>
    %add3A_1438 = arith.addf %add3A_1432, %get3A_1437 : vector<16xf32>
    %swap3A_1439 = arith.constant 208 : index
    %swap3A_1440 = tpu.vector_load %arg8[%swap3A_1439] {strides = array<i32>} : memref<256xf32, #tpu.memory_space<vmem>>, vector<16xf32>,
    %swap3A_1441 = vector.shape_cast %swap3A_1440 : vector<16xf32> to vector<16xf32>
    %swap3A_1442 = vector.shape_cast %add3A_1438 : vector<16xf32> to vector<16xf32>
    tpu.vector_store %arg8[%swap3A_1439], %swap3A_1442 {strides = array<i32>} : memref<256xf32, #tpu.memory_space<vmem>>, vector<16xf32>,
    %get3A_1443 = arith.constant 224 : index
    %get3A_1444 = tpu.vector_load %arg8[%get3A_1443] {strides = array<i32>} : memref<256xf32, #tpu.memory_space<vmem>>, vector<16xf32>,
    %get3A_1445 = vector.shape_cast %get3A_1444 : vector<16xf32> to vector<16xf32>
    %get3A_1446 = arith.constant 0 : i32
    %get3A_1447 = arith.index_cast %get3A_1446 : i32 to index
    %get3A_1448 = arith.constant 224 : index
    %get3A_1449 = tpu.vector_load %arg7[%get3A_1447, %get3A_1448] {strides = array<i32>} : memref<16x256xf32, #tpu.memory_space<vmem>>, vector<1x16xf32>,
    %get3A_1450 = vector.shape_cast %get3A_1449 : vector<1x16xf32> to vector<16xf32>
    %add3A_1451 = arith.addf %get3A_1445, %get3A_1450 : vector<16xf32>
    %get3A_1452 = arith.constant 1 : i32
    %get3A_1453 = arith.index_cast %get3A_1452 : i32 to index
    %get3A_1454 = arith.constant 224 : index
    %get3A_1455 = tpu.vector_load %arg7[%get3A_1453, %get3A_1454] {strides = array<i32>} : memref<16x256xf32, #tpu.memory_space<vmem>>, vector<1x16xf32>,
    %get3A_1456 = vector.shape_cast %get3A_1455 : vector<1x16xf32> to vector<16xf32>
    %add3A_1457 = arith.addf %add3A_1451, %get3A_1456 : vector<16xf32>
    %get3A_1458 = arith.constant 2 : i32
    %get3A_1459 = arith.index_cast %get3A_1458 : i32 to index
    %get3A_1460 = arith.constant 224 : index
    %get3A_1461 = tpu.vector_load %arg7[%get3A_1459, %get3A_1460] {strides = array<i32>} : memref<16x256xf32, #tpu.memory_space<vmem>>, vector<1x16xf32>,
    %get3A_1462 = vector.shape_cast %get3A_1461 : vector<1x16xf32> to vector<16xf32>
    %add3A_1463 = arith.addf %add3A_1457, %get3A_1462 : vector<16xf32>
    %get3A_1464 = arith.constant 3 : i32
    %get3A_1465 = arith.index_cast %get3A_1464 : i32 to index
    %get3A_1466 = arith.constant 224 : index
    %get3A_1467 = tpu.vector_load %arg7[%get3A_1465, %get3A_1466] {strides = array<i32>} : memref<16x256xf32, #tpu.memory_space<vmem>>, vector<1x16xf32>,
    %get3A_1468 = vector.shape_cast %get3A_1467 : vector<1x16xf32> to vector<16xf32>
    %add3A_1469 = arith.addf %add3A_1463, %get3A_1468 : vector<16xf32>
    %get3A_1470 = arith.constant 4 : i32
    %get3A_1471 = arith.index_cast %get3A_1470 : i32 to index
    %get3A_1472 = arith.constant 224 : index
    %get3A_1473 = tpu.vector_load %arg7[%get3A_1471, %get3A_1472] {strides = array<i32>} : memref<16x256xf32, #tpu.memory_space<vmem>>, vector<1x16xf32>,
    %get3A_1474 = vector.shape_cast %get3A_1473 : vector<1x16xf32> to vector<16xf32>
    %add3A_1475 = arith.addf %add3A_1469, %get3A_1474 : vector<16xf32>
    %get3A_1476 = arith.constant 5 : i32
    %get3A_1477 = arith.index_cast %get3A_1476 : i32 to index
    %get3A_1478 = arith.constant 224 : index
    %get3A_1479 = tpu.vector_load %arg7[%get3A_1477, %get3A_1478] {strides = array<i32>} : memref<16x256xf32, #tpu.memory_space<vmem>>, vector<1x16xf32>,
    %get3A_1480 = vector.shape_cast %get3A_1479 : vector<1x16xf32> to vector<16xf32>
    %add3A_1481 = arith.addf %add3A_1475, %get3A_1480 : vector<16xf32>
    %get3A_1482 = arith.constant 6 : i32
    %get3A_1483 = arith.index_cast %get3A_1482 : i32 to index
    %get3A_1484 = arith.constant 224 : index
    %get3A_1485 = tpu.vector_load %arg7[%get3A_1483, %get3A_1484] {strides = array<i32>} : memref<16x256xf32, #tpu.memory_space<vmem>>, vector<1x16xf32>,
    %get3A_1486 = vector.shape_cast %get3A_1485 : vector<1x16xf32> to vector<16xf32>
    %add3A_1487 = arith.addf %add3A_1481, %get3A_1486 : vector<16xf32>
    %get3A_1488 = arith.constant 7 : i32
    %get3A_1489 = arith.index_cast %get3A_1488 : i32 to index
    %get3A_1490 = arith.constant 224 : index
    %get3A_1491 = tpu.vector_load %arg7[%get3A_1489, %get3A_1490] {strides = array<i32>} : memref<16x256xf32, #tpu.memory_space<vmem>>, vector<1x16xf32>,
    %get3A_1492 = vector.shape_cast %get3A_1491 : vector<1x16xf32> to vector<16xf32>
    %add3A_1493 = arith.addf %add3A_1487, %get3A_1492 : vector<16xf32>
    %get3A_1494 = arith.constant 8 : i32
    %get3A_1495 = arith.index_cast %get3A_1494 : i32 to index
    %get3A_1496 = arith.constant 224 : index
    %get3A_1497 = tpu.vector_load %arg7[%get3A_1495, %get3A_1496] {strides = array<i32>} : memref<16x256xf32, #tpu.memory_space<vmem>>, vector<1x16xf32>,
    %get3A_1498 = vector.shape_cast %get3A_1497 : vector<1x16xf32> to vector<16xf32>
    %add3A_1499 = arith.addf %add3A_1493, %get3A_1498 : vector<16xf32>
    %get3A_1500 = arith.constant 9 : i32
    %get3A_1501 = arith.index_cast %get3A_1500 : i32 to index
    %get3A_1502 = arith.constant 224 : index
    %get3A_1503 = tpu.vector_load %arg7[%get3A_1501, %get3A_1502] {strides = array<i32>} : memref<16x256xf32, #tpu.memory_space<vmem>>, vector<1x16xf32>,
    %get3A_1504 = vector.shape_cast %get3A_1503 : vector<1x16xf32> to vector<16xf32>
    %add3A_1505 = arith.addf %add3A_1499, %get3A_1504 : vector<16xf32>
    %get3A_1506 = arith.constant 10 : i32
    %get3A_1507 = arith.index_cast %get3A_1506 : i32 to index
    %get3A_1508 = arith.constant 224 : index
    %get3A_1509 = tpu.vector_load %arg7[%get3A_1507, %get3A_1508] {strides = array<i32>} : memref<16x256xf32, #tpu.memory_space<vmem>>, vector<1x16xf32>,
    %get3A_1510 = vector.shape_cast %get3A_1509 : vector<1x16xf32> to vector<16xf32>
    %add3A_1511 = arith.addf %add3A_1505, %get3A_1510 : vector<16xf32>
    %get3A_1512 = arith.constant 11 : i32
    %get3A_1513 = arith.index_cast %get3A_1512 : i32 to index
    %get3A_1514 = arith.constant 224 : index
    %get3A_1515 = tpu.vector_load %arg7[%get3A_1513, %get3A_1514] {strides = array<i32>} : memref<16x256xf32, #tpu.memory_space<vmem>>, vector<1x16xf32>,
    %get3A_1516 = vector.shape_cast %get3A_1515 : vector<1x16xf32> to vector<16xf32>
    %add3A_1517 = arith.addf %add3A_1511, %get3A_1516 : vector<16xf32>
    %get3A_1518 = arith.constant 12 : i32
    %get3A_1519 = arith.index_cast %get3A_1518 : i32 to index
    %get3A_1520 = arith.constant 224 : index
    %get3A_1521 = tpu.vector_load %arg7[%get3A_1519, %get3A_1520] {strides = array<i32>} : memref<16x256xf32, #tpu.memory_space<vmem>>, vector<1x16xf32>,
    %get3A_1522 = vector.shape_cast %get3A_1521 : vector<1x16xf32> to vector<16xf32>
    %add3A_1523 = arith.addf %add3A_1517, %get3A_1522 : vector<16xf32>
    %get3A_1524 = arith.constant 13 : i32
    %get3A_1525 = arith.index_cast %get3A_1524 : i32 to index
    %get3A_1526 = arith.constant 224 : index
    %get3A_1527 = tpu.vector_load %arg7[%get3A_1525, %get3A_1526] {strides = array<i32>} : memref<16x256xf32, #tpu.memory_space<vmem>>, vector<1x16xf32>,
    %get3A_1528 = vector.shape_cast %get3A_1527 : vector<1x16xf32> to vector<16xf32>
    %add3A_1529 = arith.addf %add3A_1523, %get3A_1528 : vector<16xf32>
    %get3A_1530 = arith.constant 14 : i32
    %get3A_1531 = arith.index_cast %get3A_1530 : i32 to index
    %get3A_1532 = arith.constant 224 : index
    %get3A_1533 = tpu.vector_load %arg7[%get3A_1531, %get3A_1532] {strides = array<i32>} : memref<16x256xf32, #tpu.memory_space<vmem>>, vector<1x16xf32>,
    %get3A_1534 = vector.shape_cast %get3A_1533 : vector<1x16xf32> to vector<16xf32>
    %add3A_1535 = arith.addf %add3A_1529, %get3A_1534 : vector<16xf32>
    %get3A_1536 = arith.constant 15 : i32
    %get3A_1537 = arith.index_cast %get3A_1536 : i32 to index
    %get3A_1538 = arith.constant 224 : index
    %get3A_1539 = tpu.vector_load %arg7[%get3A_1537, %get3A_1538] {strides = array<i32>} : memref<16x256xf32, #tpu.memory_space<vmem>>, vector<1x16xf32>,
    %get3A_1540 = vector.shape_cast %get3A_1539 : vector<1x16xf32> to vector<16xf32>
    %add3A_1541 = arith.addf %add3A_1535, %get3A_1540 : vector<16xf32>
    %swap3A_1542 = arith.constant 224 : index
    %swap3A_1543 = tpu.vector_load %arg8[%swap3A_1542] {strides = array<i32>} : memref<256xf32, #tpu.memory_space<vmem>>, vector<16xf32>,
    %swap3A_1544 = vector.shape_cast %swap3A_1543 : vector<16xf32> to vector<16xf32>
    %swap3A_1545 = vector.shape_cast %add3A_1541 : vector<16xf32> to vector<16xf32>
    tpu.vector_store %arg8[%swap3A_1542], %swap3A_1545 {strides = array<i32>} : memref<256xf32, #tpu.memory_space<vmem>>, vector<16xf32>,
    %get3A_1546 = arith.constant 240 : index
    %get3A_1547 = tpu.vector_load %arg8[%get3A_1546] {strides = array<i32>} : memref<256xf32, #tpu.memory_space<vmem>>, vector<16xf32>,
    %get3A_1548 = vector.shape_cast %get3A_1547 : vector<16xf32> to vector<16xf32>
    %get3A_1549 = arith.constant 0 : i32
    %get3A_1550 = arith.index_cast %get3A_1549 : i32 to index
    %get3A_1551 = arith.constant 240 : index
    %get3A_1552 = tpu.vector_load %arg7[%get3A_1550, %get3A_1551] {strides = array<i32>} : memref<16x256xf32, #tpu.memory_space<vmem>>, vector<1x16xf32>,
    %get3A_1553 = vector.shape_cast %get3A_1552 : vector<1x16xf32> to vector<16xf32>
    %add3A_1554 = arith.addf %get3A_1548, %get3A_1553 : vector<16xf32>
    %get3A_1555 = arith.constant 1 : i32
    %get3A_1556 = arith.index_cast %get3A_1555 : i32 to index
    %get3A_1557 = arith.constant 240 : index
    %get3A_1558 = tpu.vector_load %arg7[%get3A_1556, %get3A_1557] {strides = array<i32>} : memref<16x256xf32, #tpu.memory_space<vmem>>, vector<1x16xf32>,
    %get3A_1559 = vector.shape_cast %get3A_1558 : vector<1x16xf32> to vector<16xf32>
    %add3A_1560 = arith.addf %add3A_1554, %get3A_1559 : vector<16xf32>
    %get3A_1561 = arith.constant 2 : i32
    %get3A_1562 = arith.index_cast %get3A_1561 : i32 to index
    %get3A_1563 = arith.constant 240 : index
    %get3A_1564 = tpu.vector_load %arg7[%get3A_1562, %get3A_1563] {strides = array<i32>} : memref<16x256xf32, #tpu.memory_space<vmem>>, vector<1x16xf32>,
    %get3A_1565 = vector.shape_cast %get3A_1564 : vector<1x16xf32> to vector<16xf32>
    %add3A_1566 = arith.addf %add3A_1560, %get3A_1565 : vector<16xf32>
    %get3A_1567 = arith.constant 3 : i32
    %get3A_1568 = arith.index_cast %get3A_1567 : i32 to index
    %get3A_1569 = arith.constant 240 : index
    %get3A_1570 = tpu.vector_load %arg7[%get3A_1568, %get3A_1569] {strides = array<i32>} : memref<16x256xf32, #tpu.memory_space<vmem>>, vector<1x16xf32>,
    %get3A_1571 = vector.shape_cast %get3A_1570 : vector<1x16xf32> to vector<16xf32>
    %add3A_1572 = arith.addf %add3A_1566, %get3A_1571 : vector<16xf32>
    %get3A_1573 = arith.constant 4 : i32
    %get3A_1574 = arith.index_cast %get3A_1573 : i32 to index
    %get3A_1575 = arith.constant 240 : index
    %get3A_1576 = tpu.vector_load %arg7[%get3A_1574, %get3A_1575] {strides = array<i32>} : memref<16x256xf32, #tpu.memory_space<vmem>>, vector<1x16xf32>,
    %get3A_1577 = vector.shape_cast %get3A_1576 : vector<1x16xf32> to vector<16xf32>
    %add3A_1578 = arith.addf %add3A_1572, %get3A_1577 : vector<16xf32>
    %get3A_1579 = arith.constant 5 : i32
    %get3A_1580 = arith.index_cast %get3A_1579 : i32 to index
    %get3A_1581 = arith.constant 240 : index
    %get3A_1582 = tpu.vector_load %arg7[%get3A_1580, %get3A_1581] {strides = array<i32>} : memref<16x256xf32, #tpu.memory_space<vmem>>, vector<1x16xf32>,
    %get3A_1583 = vector.shape_cast %get3A_1582 : vector<1x16xf32> to vector<16xf32>
    %add3A_1584 = arith.addf %add3A_1578, %get3A_1583 : vector<16xf32>
    %get3A_1585 = arith.constant 6 : i32
    %get3A_1586 = arith.index_cast %get3A_1585 : i32 to index
    %get3A_1587 = arith.constant 240 : index
    %get3A_1588 = tpu.vector_load %arg7[%get3A_1586, %get3A_1587] {strides = array<i32>} : memref<16x256xf32, #tpu.memory_space<vmem>>, vector<1x16xf32>,
    %get3A_1589 = vector.shape_cast %get3A_1588 : vector<1x16xf32> to vector<16xf32>
    %add3A_1590 = arith.addf %add3A_1584, %get3A_1589 : vector<16xf32>
    %get3A_1591 = arith.constant 7 : i32
    %get3A_1592 = arith.index_cast %get3A_1591 : i32 to index
    %get3A_1593 = arith.constant 240 : index
    %get3A_1594 = tpu.vector_load %arg7[%get3A_1592, %get3A_1593] {strides = array<i32>} : memref<16x256xf32, #tpu.memory_space<vmem>>, vector<1x16xf32>,
    %get3A_1595 = vector.shape_cast %get3A_1594 : vector<1x16xf32> to vector<16xf32>
    %add3A_1596 = arith.addf %add3A_1590, %get3A_1595 : vector<16xf32>
    %get3A_1597 = arith.constant 8 : i32
    %get3A_1598 = arith.index_cast %get3A_1597 : i32 to index
    %get3A_1599 = arith.constant 240 : index
    %get3A_1600 = tpu.vector_load %arg7[%get3A_1598, %get3A_1599] {strides = array<i32>} : memref<16x256xf32, #tpu.memory_space<vmem>>, vector<1x16xf32>,
    %get3A_1601 = vector.shape_cast %get3A_1600 : vector<1x16xf32> to vector<16xf32>
    %add3A_1602 = arith.addf %add3A_1596, %get3A_1601 : vector<16xf32>
    %get3A_1603 = arith.constant 9 : i32
    %get3A_1604 = arith.index_cast %get3A_1603 : i32 to index
    %get3A_1605 = arith.constant 240 : index
    %get3A_1606 = tpu.vector_load %arg7[%get3A_1604, %get3A_1605] {strides = array<i32>} : memref<16x256xf32, #tpu.memory_space<vmem>>, vector<1x16xf32>,
    %get3A_1607 = vector.shape_cast %get3A_1606 : vector<1x16xf32> to vector<16xf32>
    %add3A_1608 = arith.addf %add3A_1602, %get3A_1607 : vector<16xf32>
    %get3A_1609 = arith.constant 10 : i32
    %get3A_1610 = arith.index_cast %get3A_1609 : i32 to index
    %get3A_1611 = arith.constant 240 : index
    %get3A_1612 = tpu.vector_load %arg7[%get3A_1610, %get3A_1611] {strides = array<i32>} : memref<16x256xf32, #tpu.memory_space<vmem>>, vector<1x16xf32>,
    %get3A_1613 = vector.shape_cast %get3A_1612 : vector<1x16xf32> to vector<16xf32>
    %add3A_1614 = arith.addf %add3A_1608, %get3A_1613 : vector<16xf32>
    %get3A_1615 = arith.constant 11 : i32
    %get3A_1616 = arith.index_cast %get3A_1615 : i32 to index
    %get3A_1617 = arith.constant 240 : index
    %get3A_1618 = tpu.vector_load %arg7[%get3A_1616, %get3A_1617] {strides = array<i32>} : memref<16x256xf32, #tpu.memory_space<vmem>>, vector<1x16xf32>,
    %get3A_1619 = vector.shape_cast %get3A_1618 : vector<1x16xf32> to vector<16xf32>
    %add3A_1620 = arith.addf %add3A_1614, %get3A_1619 : vector<16xf32>
    %get3A_1621 = arith.constant 12 : i32
    %get3A_1622 = arith.index_cast %get3A_1621 : i32 to index
    %get3A_1623 = arith.constant 240 : index
    %get3A_1624 = tpu.vector_load %arg7[%get3A_1622, %get3A_1623] {strides = array<i32>} : memref<16x256xf32, #tpu.memory_space<vmem>>, vector<1x16xf32>,
    %get3A_1625 = vector.shape_cast %get3A_1624 : vector<1x16xf32> to vector<16xf32>
    %add3A_1626 = arith.addf %add3A_1620, %get3A_1625 : vector<16xf32>
    %get3A_1627 = arith.constant 13 : i32
    %get3A_1628 = arith.index_cast %get3A_1627 : i32 to index
    %get3A_1629 = arith.constant 240 : index
    %get3A_1630 = tpu.vector_load %arg7[%get3A_1628, %get3A_1629] {strides = array<i32>} : memref<16x256xf32, #tpu.memory_space<vmem>>, vector<1x16xf32>,
    %get3A_1631 = vector.shape_cast %get3A_1630 : vector<1x16xf32> to vector<16xf32>
    %add3A_1632 = arith.addf %add3A_1626, %get3A_1631 : vector<16xf32>
    %get3A_1633 = arith.constant 14 : i32
    %get3A_1634 = arith.index_cast %get3A_1633 : i32 to index
    %get3A_1635 = arith.constant 240 : index
    %get3A_1636 = tpu.vector_load %arg7[%get3A_1634, %get3A_1635] {strides = array<i32>} : memref<16x256xf32, #tpu.memory_space<vmem>>, vector<1x16xf32>,
    %get3A_1637 = vector.shape_cast %get3A_1636 : vector<1x16xf32> to vector<16xf32>
    %add3A_1638 = arith.addf %add3A_1632, %get3A_1637 : vector<16xf32>
    %get3A_1639 = arith.constant 15 : i32
    %get3A_1640 = arith.index_cast %get3A_1639 : i32 to index
    %get3A_1641 = arith.constant 240 : index
    %get3A_1642 = tpu.vector_load %arg7[%get3A_1640, %get3A_1641] {strides = array<i32>} : memref<16x256xf32, #tpu.memory_space<vmem>>, vector<1x16xf32>,
    %get3A_1643 = vector.shape_cast %get3A_1642 : vector<1x16xf32> to vector<16xf32>
    %add3A_1644 = arith.addf %add3A_1638, %get3A_1643 : vector<16xf32>
    %swap3A_1645 = arith.constant 240 : index
    %swap3A_1646 = tpu.vector_load %arg8[%swap3A_1645] {strides = array<i32>} : memref<256xf32, #tpu.memory_space<vmem>>, vector<16xf32>,
    %swap3A_1647 = vector.shape_cast %swap3A_1646 : vector<16xf32> to vector<16xf32>
    %swap3A_1648 = vector.shape_cast %add3A_1644 : vector<16xf32> to vector<16xf32>
    tpu.vector_store %arg8[%swap3A_1645], %swap3A_1648 {strides = array<i32>} : memref<256xf32, #tpu.memory_space<vmem>>, vector<16xf32>,
    "tpu.region"() ({
      %run_scoped3A = tpu.sem_alloc : memref<!tpu.dma_semaphore, #tpu.memory_space<semaphore_mem>>
      tpu.enqueue_dma source(%arg8 : memref<256xf32, #tpu.memory_space<vmem>>) target(%arg5 : memref<256xf32, #tpu.memory_space<hbm>>) target_semaphore(%run_scoped3A : memref<!tpu.dma_semaphore, #tpu.memory_space<semaphore_mem>>)
      tpu.wait_dma2 semaphore(%run_scoped3A : memref<!tpu.dma_semaphore, #tpu.memory_space<semaphore_mem>>) src(%arg8 : memref<256xf32, #tpu.memory_space<vmem>>) dst(%arg5 : memref<256xf32, #tpu.memory_space<hbm>>)
      tpu.yield
    }) : () -> ()
    return
  }
}

module attributes {stable_mosaic.version = 14 : i64} {
  func.func @_tc_logits_argmax(%arg0: i32, %arg1: memref<8x256xf32, #tpu.memory_space<vmem>>, %arg2: memref<256x4096xf32, #tpu.memory_space<vmem>>, %arg3: memref<1x4096xf32, #tpu.memory_space<vmem>>, %arg4: memref<8x1x512xf32, #tpu.memory_space<vmem>>, %arg5: memref<1xf32, #tpu.memory_space<smem>>, %arg6: memref<1x16xi32, #tpu.memory_space<vmem>>, %arg7: memref<2x8x512xf32, #tpu.memory_space<vmem>>) attributes {dimension_semantics = [#tpu.dimension_semantics<arbitrary>], iteration_bounds = array<i64: 2>, scalar_prefetch = 0 : i64, scratch_operands = 1 : i64, tpu.core_type = #tpu.core_type<tc>, window_params = [{transform_indices = @transform_0, window_bounds = array<i64: 8, 256>}, {transform_indices = @transform_1, window_bounds = array<i64: 256, 4096>}, {transform_indices = @transform_2, window_bounds = array<i64: 1, 4096>}, {transform_indices = @transform_3, window_bounds = array<i64: 8, 1, 512>}, {transform_indices = @transform_4, window_bounds = array<i64: 1>}, {pipeline_mode = #tpu.pipeline_mode<synchronous>, transform_indices = @transform_5, window_bounds = array<i64: 1, 16>}]} {
    %get3A = arith.constant 0 : index
    %get3A_0 = arith.constant 0 : index
    %get3A_1 = vector.load %arg1[%get3A, %get3A_0] : memref<8x256xf32, #tpu.memory_space<vmem>>, vector<1x256xf32>
    %get3A_2 = arith.constant 0 : index
    %get3A_3 = arith.constant 0 : index
    %get3A_4 = vector.load %arg2[%get3A_2, %get3A_3] : memref<256x4096xf32, #tpu.memory_space<vmem>>, vector<256x4096xf32>
    %dot_general3A = arith.constant dense<0.000000e+00> : vector<1x4096xf32>
    %dot_general3A_5 = tpu.matmul %get3A_1, %get3A_4, %dot_general3A {dimension_numbers = #tpu.dot_dimension_numbers<[1], [0], [0], [1], [0, 0, 1, 1], [], []>, transpose_lhs_hint = false} : vector<1x256xf32>, vector<256x4096xf32>, vector<1x4096xf32> -> vector<1x4096xf32>
    %get3A_6 = arith.constant 0 : index
    %get3A_7 = arith.constant 0 : index
    %get3A_8 = vector.load %arg3[%get3A_6, %get3A_7] : memref<1x4096xf32, #tpu.memory_space<vmem>>, vector<1x4096xf32>
    %add3A = arith.addf %dot_general3A_5, %get3A_8 : vector<1x4096xf32>
    %reshape3A = vector.shape_cast %add3A : vector<1x4096xf32> to vector<8x512xf32>
    %get3A_9 = arith.constant 0 : index
    %get3A_10 = memref.load %arg5[%get3A_9] : memref<1xf32, #tpu.memory_space<smem>>
    %get3A_11 = arith.constant 0 : index
    %get3A_12 = arith.constant 0 : index
    %get3A_13 = arith.constant 0 : index
    %get3A_14 = vector.load %arg4[%get3A_11, %get3A_12, %get3A_13] : memref<8x1x512xf32, #tpu.memory_space<vmem>>, vector<8x1x512xf32>
    %get3A_15 = vector.shape_cast %get3A_14 : vector<8x1x512xf32> to vector<8x512xf32>
    %sub3A = arith.constant 5.000000e-01 : f32
    %sub3A_16 = vector.broadcast %sub3A : f32 to vector<8x512xf32>
    %sub3A_17 = arith.subf %get3A_15, %sub3A_16 : vector<8x512xf32>
    %mul3A = vector.broadcast %get3A_10 : f32 to vector<8x512xf32>
    %mul3A_18 = arith.mulf %mul3A, %sub3A_17 : vector<8x512xf32>
    %add3A_19 = arith.constant 5.000000e-01 : f32
    %add3A_20 = vector.broadcast %add3A_19 : f32 to vector<8x512xf32>
    %add3A_21 = arith.addf %mul3A_18, %add3A_20 : vector<8x512xf32>
    %add3A_22 = arith.constant 9.99999968E-21 : f32
    %add3A_23 = vector.broadcast %add3A_22 : f32 to vector<8x512xf32>
    %add3A_24 = arith.addf %add3A_21, %add3A_23 : vector<8x512xf32>
    %log3A = math.log %add3A_24 : vector<8x512xf32>
    %neg3A = arith.constant 0.000000e+00 : f32
    %neg3A_25 = vector.broadcast %neg3A : f32 to vector<8x512xf32>
    %neg3A_26 = arith.subf %neg3A_25, %log3A : vector<8x512xf32>
    %add3A_27 = arith.constant 9.99999968E-21 : f32
    %add3A_28 = vector.broadcast %add3A_27 : f32 to vector<8x512xf32>
    %add3A_29 = arith.addf %neg3A_26, %add3A_28 : vector<8x512xf32>
    %log3A_30 = math.log %add3A_29 : vector<8x512xf32>
    %neg3A_31 = arith.constant 0.000000e+00 : f32
    %neg3A_32 = vector.broadcast %neg3A_31 : f32 to vector<8x512xf32>
    %neg3A_33 = arith.subf %neg3A_32, %log3A_30 : vector<8x512xf32>
    %add3A_34 = arith.addf %reshape3A, %neg3A_33 : vector<8x512xf32>
    %swap3A = arith.index_cast %arg0 : i32 to index
    %swap3A_35 = arith.constant 0 : index
    %swap3A_36 = arith.constant 0 : index
    %swap3A_37 = vector.load %arg7[%swap3A, %swap3A_35, %swap3A_36] : memref<2x8x512xf32, #tpu.memory_space<vmem>>, vector<1x8x512xf32>
    %swap3A_38 = vector.shape_cast %swap3A_37 : vector<1x8x512xf32> to vector<8x512xf32>
    %swap3A_39 = vector.shape_cast %add3A_34 : vector<8x512xf32> to vector<1x8x512xf32>
    tpu.vector_store %arg7[%swap3A, %swap3A_35, %swap3A_36], %swap3A_39 {strides = array<i32>} : memref<2x8x512xf32, #tpu.memory_space<vmem>>, vector<1x8x512xf32>,
    %eq3A = arith.constant 1 : i32
    %eq3A_40 = arith.cmpi eq, %arg0, %eq3A : i32
    %convert_element_type3A = arith.extui %eq3A_40 : i1 to i32
    %cond3A = arith.constant 0 : i32
    %cond3A_41 = arith.cmpi ne, %convert_element_type3A, %cond3A : i32
    scf.if %cond3A_41 {
      %get3A_42 = arith.constant 0 : index
      %get3A_43 = arith.constant 0 : index
      %get3A_44 = arith.constant 0 : index
      %get3A_45 = vector.load %arg7[%get3A_42, %get3A_43, %get3A_44] : memref<2x8x512xf32, #tpu.memory_space<vmem>>, vector<2x8x512xf32>
      %reshape3A_46 = vector.shape_cast %get3A_45 : vector<2x8x512xf32> to vector<16x512xf32>
      %argmax3A = tpu.reduce_index %reshape3A_46 {axis = 1 : i32, kind = #tpu.reduction_kind<arg_max>} : vector<16x512xf32> -> vector<16xi32>
      %iota3A = tpu.iota {dimensions = array<i32: 1>} : vector<1x16xi32>
      %iota3A_47 = vector.shape_cast %iota3A : vector<1x16xi32> to vector<16xi32>
      %mul3A_48 = arith.constant 512 : i32
      %mul3A_49 = vector.broadcast %mul3A_48 : i32 to vector<16xi32>
      %mul3A_50 = arith.muli %iota3A_47, %mul3A_49 : vector<16xi32>
      %add3A_51 = arith.addi %argmax3A, %mul3A_50 : vector<16xi32>
      %reshape3A_52 = vector.shape_cast %add3A_51 : vector<16xi32> to vector<1x16xi32>
      %swap3A_53 = arith.constant 0 : index
      %swap3A_54 = arith.constant 0 : index
      %swap3A_55 = vector.load %arg6[%swap3A_53, %swap3A_54] : memref<1x16xi32, #tpu.memory_space<vmem>>, vector<1x16xi32>
      tpu.vector_store %arg6[%swap3A_53, %swap3A_54], %reshape3A_52 {strides = array<i32>} : memref<1x16xi32, #tpu.memory_space<vmem>>, vector<1x16xi32>,
    } else {
    }
    return
  }
  func.func @transform_0(%arg0: i32) -> (i32, i32) {
    %c0_i32 = arith.constant 0 : i32
    %c0_i32_0 = arith.constant 0 : i32
    %c0_i32_1 = arith.constant 0 : i32
    return %c0_i32, %c0_i32_0 : i32, i32
  }
  func.func @transform_1(%arg0: i32) -> (i32, i32) {
    %c0_i32 = arith.constant 0 : i32
    %c0_i32_0 = arith.constant 0 : i32
    return %c0_i32, %arg0 : i32, i32
  }
  func.func @transform_2(%arg0: i32) -> (i32, i32) {
    %c0_i32 = arith.constant 0 : i32
    %c0_i32_0 = arith.constant 0 : i32
    return %c0_i32, %arg0 : i32, i32
  }
  func.func @transform_3(%arg0: i32) -> (i32, i32, i32) {
    %c0_i32 = arith.constant 0 : i32
    %c0_i32_0 = arith.constant 0 : i32
    %c0_i32_1 = arith.constant 0 : i32
    return %arg0, %c0_i32, %c0_i32_0 : i32, i32, i32
  }
  func.func @transform_4(%arg0: i32) -> i32 {
    %c0_i32 = arith.constant 0 : i32
    %c0_i32_0 = arith.constant 0 : i32
    return %c0_i32 : i32
  }
  func.func @transform_5(%arg0: i32) -> (i32, i32) {
    %c0_i32 = arith.constant 0 : i32
    %c0_i32_0 = arith.constant 0 : i32
    %c0_i32_1 = arith.constant 0 : i32
    return %c0_i32, %c0_i32_0 : i32, i32
  }
}

</mosaic_0001>

<sc_bundles>
// kernel: kernel.4.cloned.1.call-start
scs
__scs_entry_jumppad:
0x0: {  	(pc) =	sbr.rel $0x88, $3  }
0x1: {  	(tag) =	ssettag $0x0;
	lr =	simm.s32 $0x1  }
0x2: {  	[smem:$0x3F9B] =	sst lr;
	_ =	strace $0xD0000000  }
0x3: {  	_ = 	snop  }
0x4: {  	_ = 	snop  }
0x5: {  	_ = 	snop  }
0x6: {  	_ = 	snop  }
0x7: {  	_ = 	snop  }
__scs_overlays_trampoline_lowered:
0x8: {  	[smem:$0x3FAA] =	sst s0  }
0x9: {  	[smem:$0x3FAB] =	sst s1  }
0xa: {  	[smem:$0x3FAC] =	sst s2  }
0xb: {  	[smem:$0x3FAD] =	sst s3  }
0xc: {  	[smem:$0x3FAE] =	sst s4  }
0xd: {  	[smem:$0x3FAF] =	sst s5  }
0xe: {  	[smem:$0x3FB0] =	sst s6  }
0xf: {  	[smem:$0x3FB1] =	sst s7  }
0x10: {  	[smem:$0x3FB2] =	sst s8  }
0x11: {  	[smem:$0x3FB3] =	sst s9;
	s0 =	simm.s32 @!p0 $0x0  }
0x12: {  	s1 =	sld [smem:$0x3F99];
	s0 =	simm.s32 @p0 $0x1  }
0x13: {  	[smem:$0x3FB4] =	sst s0;
	s0 =	simm.s32 @!p1 $0x0  }
0x14: {  	s2 =	sld [smem:$0x3F98];
	s0 =	simm.s32 @p1 $0x1  }
0x15: {  	[smem:$0x3FB5] =	sst s0;
	s0 =	simm.s32 @!p2 $0x0  }
0x16: {  	s3 =	sld [smem:$0x3FDB];
	s0 =	simm.s32 @p2 $0x1  }
0x17: {  	s4 =	simm.s32 $0x1BF5;
	[smem:$0x3FB7] =	sst s0  }
0x18: {  	s0 =	sld [smem:$0x3F9A];
	_ =	swait.ge [sflag:s4], $0x0  }
0x19: {  	s7 =	sld [smem:$0x3F9B]  }
0x1a: {  	s8 =	sadd.s32 $0xFFFFE003, lr  }
0x1b: {  	s9 =	sadd.s32 $0xFFFFFEF7, lr;
	s5 =	simm.s32 $0xFFFFFFFF;
	p2 =	slt.u32 s8, $0xFFFFF086  }
0x1c: {  	p1 =	slt.u32 s9, $0xF7A;
	s5 =	simm.s32 @!p2 $0x0  }
0x1d: {  	s5 =	simm.s32 @p1 $0x1;
	p0 =	seq.s32 s7, s2  }
0x1e: {  	s7 =	smul.u32 @!p0 $0xF7A, s2;
	p2 =	seq.s32 @!p0 s5, $0x0  }
0x1f: {  	s9 =	smul.u32 $0xF7A, s1;
	s8 =	simm.s32 @!p0 $0x1BF5;
	p2 =	por !p2, p0  }
0x20: {  	[sflag:s8] =	ssyncset.s32 @!p0 $0xFFFFF086;
	s6 =	sadd.s32 @!p0 s3, s7;
	s7 =	simm.s32 @!p0 $0x108  }
0x21: {  	s3 =	sadd.s32 s3, s9;
	s6 =	sadd.s32 @!p0 $0x88, s6;
	s7 =	simm.s32 @p2 $0x1082  }
0x22: {  	[simem:s7], [sflag:s8] =	dma.local @!p0 [hbm:s6], $0xF7A  }
0x23: {  	s9 =	sor.u32 $0xD0000000, s2;
	s6 =	simm.s32 $0x108;
	_ =	swait.ge @!p0 [sflag:s8], $0x0  }
0x24: {  	s3 =	sadd.s32 $0x88, s3;
	s6 =	simm.s32 @!p1 $0x1082;
	[sflag:s4] =	ssyncset.s32 $0xFFFFF086  }
0x25: {  	[simem:s6], [sflag:s4] =	dma.local [hbm:s3], $0xF7A  }
0x26: {  	[smem:$0x3F9B] =	sst s1;
	(tag) =	ssettag s2;
	_ =	strace s9  }
0x27: {  	s1 =	sld [smem:$0x3FAB]  }
0x28: {  	s2 =	sld [smem:$0x3FAC]  }
0x29: {  	s4 =	sld [smem:$0x3FAE]  }
0x2a: {  	p0 =	seq.s32 s5, $0x0;
	s5 =	sld [smem:$0x3FAF]  }
0x2b: {  	s6 =	sld [smem:$0x3FB0]  }
0x2c: {  	s7 =	sld [smem:$0x3FB1]  }
0x2d: {  	s3 =	simm.s32 $0x108;
	s8 =	sld [smem:$0x3FB2]  }
0x2e: {  	s3 =	simm.s32 @!p0 $0x1082;
	s9 =	sld [smem:$0x3FB3]  }
0x2f: {  	lr =	sadd.s32 s0, s3;
	s0 =	sld [smem:$0x3FAA]  }
0x30: {  	s3 =	sld [smem:$0x3FAD]  }
0x31: {  	[smem:$0x3FB6] =	sst s10  }
0x32: {  	s10 =	sld [smem:$0x3FB4];
	_ =	sdelay $0x3  }
0x33: {  	p0 =	seq.s32 s10, $0x1;
	s10 =	sld [smem:$0x3FB6];
	_ =	sdelay $0x3  }
0x34: {  	[smem:$0x3FB6] =	sst s10  }
0x35: {  	s10 =	sld [smem:$0x3FB5];
	_ =	sdelay $0x3  }
0x36: {  	p1 =	seq.s32 s10, $0x1;
	s10 =	sld [smem:$0x3FB6];
	_ =	sdelay $0x3  }
0x37: {  	[smem:$0x3FB6] =	sst s10  }
0x38: {  	s10 =	sld [smem:$0x3FB7]  }
0x39: {  	_ = 	snop;
	(pc) =	sbr.ind lr, $3  }
0x3a: {  	_ = 	snop  }
0x3b: {  	_ = 	snop  }
0x3c: {  	p2 =	seq.s32 s10, $0x1;
	s10 =	sld [smem:$0x3FB6]  }
0x3d: {  	_ =	shalt  }
0x3e: {  	_ =	shalt  }
0x3f: {  	_ =	shalt  }
0x40: {  	_ =	shalt  }
0x41: {  	_ =	shalt  }
0x42: {  	_ =	shalt  }
0x43: {  	_ =	shalt  }
0x44: {  	_ =	shalt  }
0x45: {  	_ =	shalt  }
0x46: {  	_ =	shalt  }
0x47: {  	_ =	shalt  }
0x48: {  	_ =	shalt  }
0x49: {  	_ =	shalt  }
0x4a: {  	_ =	shalt  }
0x4b: {  	_ =	shalt  }
0x4c: {  	_ =	shalt  }
0x4d: {  	_ =	shalt  }
0x4e: {  	_ =	shalt  }
0x4f: {  	_ =	shalt  }
0x50: {  	_ =	shalt  }
0x51: {  	_ =	shalt  }
0x52: {  	_ =	shalt  }
0x53: {  	_ =	shalt  }
0x54: {  	_ =	shalt  }
0x55: {  	_ =	shalt  }
0x56: {  	_ =	shalt  }
0x57: {  	_ =	shalt  }
0x58: {  	_ =	shalt  }
0x59: {  	_ =	shalt  }
0x5a: {  	_ =	shalt  }
0x5b: {  	_ =	shalt  }
0x5c: {  	_ =	shalt  }
0x5d: {  	_ =	shalt  }
0x5e: {  	_ =	shalt  }
0x5f: {  	_ =	shalt  }
0x60: {  	_ =	shalt  }
0x61: {  	_ =	shalt  }
0x62: {  	_ =	shalt  }
0x63: {  	_ =	shalt  }
0x64: {  	_ =	shalt  }
0x65: {  	_ =	shalt  }
0x66: {  	_ =	shalt  }
0x67: {  	_ =	shalt  }
0x68: {  	_ =	shalt  }
0x69: {  	_ =	shalt  }
0x6a: {  	_ =	shalt  }
0x6b: {  	_ =	shalt  }
0x6c: {  	_ =	shalt  }
0x6d: {  	_ =	shalt  }
0x6e: {  	_ =	shalt  }
0x6f: {  	_ =	shalt  }
0x70: {  	_ =	shalt  }
0x71: {  	_ =	shalt  }
0x72: {  	_ =	shalt  }
0x73: {  	_ =	shalt  }
0x74: {  	_ =	shalt  }
0x75: {  	_ =	shalt  }
0x76: {  	_ =	shalt  }
0x77: {  	_ =	shalt  }
0x78: {  	_ =	shalt  }
0x79: {  	_ =	shalt  }
0x7a: {  	_ =	shalt  }
0x7b: {  	_ =	shalt  }
0x7c: {  	_ =	shalt  }
0x7d: {  	_ =	shalt  }
0x7e: {  	_ =	shalt  }
0x7f: {  	_ =	shalt  }
0x80: {  	_ =	shalt  }
0x81: {  	_ =	shalt  }
0x82: {  	_ =	shalt  }
0x83: {  	_ =	shalt  }
0x84: {  	_ =	shalt  }
0x85: {  	_ =	shalt  }
0x86: {  	_ =	shalt  }
0x87: {  	_ =	shalt  }
.Lfunc_end0:
.L_simem_size_0:
called_computation_lowered:
.L_overlay_start_0:
0x88: {  	s0 =	sld [smem:$0x3FD9]  }
0x89: {  	s1 =	sld [smem:$0x3FFE];
	_ =	sdelay $0x3  }
0x8a: {  	s0 =	sadd.s32 s1, s0  }
0x8b: {  	[smem:$0x3FC2] =	sst s0  }
0x8c: {  	_ = 	snop  }
0x8d: {  	s0 =	sld [smem:$0x3FC5]  }
0x8e: {  	s16 =	sld [smem:$0x3FC4]  }
0x8f: {  	s2 =	sld [smem:$0x3FD0];
	(tm) =	ssettm $0x1  }
0x90: {  	s3 =	sld [smem:$0x3FFB];
	_ =	sdelay $0x3  }
0x91: {  	_ =	strace s3  }
0x92: {  	s3 =	sld [smem:$0x3FFC];
	_ =	sdelay $0x3  }
0x93: {  	_ =	strace s3  }
0x94: {  	s3 =	sld [smem:$0x3FFD];
	_ =	sdelay $0x3  }
0x95: {  	_ =	strace s3  }
0x96: {  	_ =	strace $0x8FFFFFFF  }
0x97: {  	s17 =	sld [smem:$0x3FDB];
	_ =	sdelay $0x1  }
0x98: {  	s4 =	simm.s32 $_scs_section_size  }
0x99: {  	s5 =	simm.s32 $_size__tile_overlayer_lowered;
	s6 =	simm.s32 $_tile_overlayer_lowered  }
0x9a: {  	s20 =	simm.s32 $0x1BFF;
	s19 =	sshll.u32 s6, $0x1;
	s3 =	sadd.s32 s4, s17  }
0x9b: {  	s7 =	simm.s32 $0x0;
	s18 =	sshll.u32 s5, $0x1;
	s5 =	sadd.s32 s19, s3  }
0x9c: {  	[timem:s7], [sflag:s20] =	dma.local [hbm:s5], s18  }
0x9d: {  	_ =	swait.ge [sflag:s20], s18  }
0x9e: {  	s4 =	ssub.s32 $0x0, s18;
	[sflag:s20] =	ssyncset.done $0x0  }
0x9f: {  	[sflag:s20] =	ssyncadd.s32 s4;
	_ =	sdelay $0x1  }
0xa0: {  	s21 =	simm.s32 $0x1B8B  }
0xa1: {  	_ =	swait.ge [sflag:s21], $0x1  }
0xa2: {  	[sflag:s21] =	ssyncset.done $0x0  }
0xa3: {  	s23 =	simm.s32 $0x1B8E;
	s22 =	sld [smem:$0x3FFE];
	[sflag:s21] =	ssyncadd.s32 $0xFFFFFFFF  }
0xa4: {  	s24 =	simm.s32 $execute0_lowered;
	[smem:$0x3FD2] =	sst s23  }
0xa5: {  	s5 =	sshll.u32 s24, $0x1;
	_ =	strace $0x80000046;
	[dreg:$0x1] =	wrdreg $0xFFFFFFFF  }
0xa6: {  	s25 =	simm.s32 $_size_execute0_lowered;
	s3 =	sadd.s32 s3, s5;
	[dreg:$0x0] =	wrdreg $0x0  }
0xa7: {  	s5 =	sshll.u32 s25, $0x1;
	[dreg:$0x2] =	wrdreg s3  }
0xa8: {  	[dreg:$0x3] =	wrdreg s5  }
0xa9: {  	[dreg:$0x4] =	wrdreg $0xC0  }
0xaa: {  	_ =	task [dreg:s7], $0x5FFFF  }
0xab: {  	[dreg:$0x1] =	wrdreg $0xFFFFFFFF  }
0xac: {  	[dreg:$0x0] =	wrdreg $0x60  }
0xad: {  	[dreg:$0x2] =	wrdreg s22  }
0xae: {  	[dreg:$0x3] =	wrdreg s0  }
0xaf: {  	[dreg:$0x4] =	wrdreg s16  }
0xb0: {  	[dreg:$0x5] =	wrdreg s2  }
0xb1: {  	[dreg:$0x6] =	wrdreg $0x9  }
0xb2: {  	_ =	task.clear_ibuf [dreg:s7], $0x7FFFF;
	_ =	strace $0x90000046  }
0xb3: {  	s26 =	simm.s32 $0x9;
	_ =	strace $0x80000048  }
0xb4: {  	_ =	swait.ge [sflag:s26], $0x1  }
0xb5: {  	[sflag:s26] =	ssyncadd.s32 $0xFFFFFFFF  }
0xb6: {  	_ =	strace $0x90000048  }
0xb7: {  	_ =	sfence  }
0xb8: {  	s28 =	sld [smem:$0x0];
	_ =	sdelay $0x1  }
0xb9: {  	s29 =	srdreg.scid  }
0xba: {  	s30 =	sshll.u32 s29, $0xD;
	s31 =	sshrl.u32 s29, $0x2  }
0xbb: {  	s1 =	sand.u32 $0x1, s29;
	s2 =	sand.u32 $0x4000, s30;
	s0 =	sadd.s32 s31, s28  }
0xbc: {  	s1 =	sor.u32 s2, s1;
	s0 =	sshll.u32 s0, $0x11  }
0xbd: {  	s0 =	sor.u32 s0, s1  }
0xbe: {  	s0 =	sadd.s32 $0x8F2B, s0  }
0xbf: {  	[sflag:s0] =	ssyncadd.remote.s32 $0x1  }
0xc0: {  	_ =	sfence.sel $0xFFFF  }
0xc1: {  	[dreg:$0x0] =	wrdreg $0xFFFFFFFF;
	(pc) =	sbr.abs _section_cstart, $3  }
0xc2: {  	[dreg:$0x1] =	wrdreg $0xFFFFFFFF  }
0xc3: {  	_ =	task.clear_ibuf [dreg:s7], $0x2FFFF;
	_ =	strace $0x9FFFFFFF  }
0xc4: {  	(tm) =	ssettm $0x7FFFFFFF  }
0xc5: {  	_ =	shalt  }
tec
execute0_lowered:
.L_overlay_start_1:
0x0: {  	(tag) =	ssettag $0x1  }
0x1: {  	s3 =	stileid.u32  }
0x2: {  	p0 =	sne.s32 s3, $0x0  }
.Ltmp0:
0x3: {  	s2 =	rddreg [dreg:$0x0];
	(pc) =	sbr.rel @p0 .LBB2_2-.Ltmp0, $4  }
0x4: {  	s4 =	rddreg [dreg:$0x1]  }
0x5: {  	s5 =	rddreg [dreg:$0x2]  }
0x6: {  	s1 =	rddreg [dreg:$0x3]  }
0x7: {  	s0 =	rddreg [dreg:$0x4];
	_ =	strace $0x80000047  }
0x8: {  	s3 =	sadd.s32 $0x1000, s2;
	s23 =	simm.s32 $0x0  }
0x9: {  	[tilespmem:s23], [sflag:$0x1] =	stream.linear.gather [hbm4b:s3+s23], $0x80, $0x38;
	[tilespmem:$0x1180] =	vst v63  }
0xa: {  	s24 =	simm.s32 $0x1080;
	s25 =	simm.s32 $0x1  }
0xb: {  	[tilespmem:s24], [sflag:$0x2] =	stream.linear.gather [hbm4b:s5+s23], $0x100, $0x38;
	[tilespmem:$0x1180] =	vst v63  }
0xc: {  	_ =	swait.ge [sflag:s25], $0x80  }
0xd: {  	[sflag:s25] =	ssyncset.done $0x0  }
0xe: {  	[sflag:s25] =	ssyncadd.s32 $0xFFFFFF80  }
0xf: {  	v0 =	vld [tilespmem:$0x0];
	_ =	sdelay $0x4  }
0x10: {  	v1 =	vshll.u32 v0, $0x1  }
0x11: {  	v2 =	vlaneseq.u32;
	v0 =	vand.u32 $0x7, v0;
	v1 =	vand.u32 $0xFFFFFFF0, v1  }
0x12: {  	v24 =	vand.u32 $0x7, v2;
	v3 =	vshrl.u32 v2, $0x3;
	v0 =	vor.u32 v0, v1  }
0x13: {  	v3 =	vmul.u32 $0x8, v3;
	v1 =	vperm.xlane v0, v24  }
0x14: {  	v2 =	vor.u32 $0x8, v2  }
0x15: {  	v0 =	vperm.xlane v0, v2;
	v1 =	vadd.s32 v3, v1;
	_ =	sdelay $0x1  }
0x16: {  	v0 =	vadd.s32 v3, v0;
	_ =	sdelay $0x1  }
0x17: {  	vm0 =	vmmov $0xffff;
	s26 =	simm.s32 $0x80  }
0x18: {  	[tilespmem:s26], [sflag:$0x3] =	stream.indirect_vreg.gather [hbm4b:s4+s23], $0x80, v1, vm0, $0xb8;
	[tilespmem:$0x1180] =	vst v63  }
0x19: {  	s28 =	simm.s32 $0x880;
	s29 =	simm.s32 $0x2  }
0x1a: {  	[tilespmem:s28], [sflag:$0x3] =	stream.indirect_vreg.gather [hbm4b:s4+s23], $0x80, v0, vm0, $0xb8;
	[tilespmem:$0x1180] =	vst v63  }
0x1b: {  	_ =	swait.ge [sflag:s29], $0x100  }
0x1c: {  	[sflag:s29] =	ssyncset.done $0x0  }
0x1d: {  	s30 =	simm.s32 $0x3;
	[sflag:s29] =	ssyncadd.s32 $0xFFFFFF00  }
0x1e: {  	_ =	swait.ge [sflag:s30], $0x1000  }
0x1f: {  	[sflag:s30] =	ssyncset.done $0x0  }
0x20: {  	[sflag:s30] =	ssyncadd.s32 $0xFFFFF000  }
0x21: {  	v31 =	vld [tilespmem:$0x1080]  }
0x22: {  	v27 =	vld [tilespmem:$0x80]  }
0x23: {  	v33 =	vld [tilespmem:$0x100]  }
0x24: {  	v38 =	vld [tilespmem:$0x180]  }
0x25: {  	v46 =	vld [tilespmem:$0x200]  }
0x26: {  	v54 =	vld [tilespmem:$0x280]  }
0x27: {  	v61 =	vld [tilespmem:$0x300]  }
0x28: {  	v25 =	vld [tilespmem:$0x380]  }
0x29: {  	v26 =	vld [tilespmem:$0x400]  }
0x2a: {  	v28 =	vld [tilespmem:$0x880]  }
0x2b: {  	v29 =	vld [tilespmem:$0x900]  }
0x2c: {  	v30 =	vld [tilespmem:$0x980]  }
0x2d: {  	v32 =	vld [tilespmem:$0xA00]  }
0x2e: {  	v34 =	vld [tilespmem:$0xA80]  }
0x2f: {  	v35 =	vld [tilespmem:$0xB00]  }
0x30: {  	v36 =	vld [tilespmem:$0xB80]  }
0x31: {  	v37 =	vld [tilespmem:$0xC00]  }
0x32: {  	v15 =	vld [tilespmem:$0x1090]  }
0x33: {  	v11 =	vld [tilespmem:$0x90]  }
0x34: {  	v17 =	vld [tilespmem:$0x110]  }
0x35: {  	v21 =	vld [tilespmem:$0x190]  }
0x36: {  	v41 =	vld [tilespmem:$0x310]  }
0x37: {  	v48 =	vld [tilespmem:$0x390]  }
0x38: {  	v57 =	vld [tilespmem:$0x410]  }
0x39: {  	v39 =	vld [tilespmem:$0x890]  }
0x3a: {  	v40 =	vld [tilespmem:$0x910]  }
0x3b: {  	v42 =	vld [tilespmem:$0x990]  }
0x3c: {  	v43 =	vld [tilespmem:$0xA10]  }
0x3d: {  	v44 =	vld [tilespmem:$0xA90]  }
0x3e: {  	v45 =	vld [tilespmem:$0xB10]  }
0x3f: {  	v47 =	vld [tilespmem:$0xB90]  }
0x40: {  	v49 =	vld [tilespmem:$0xC10]  }
0x41: {  	v5 =	vld [tilespmem:$0x10A0]  }
0x42: {  	v4 =	vld [tilespmem:$0xA0]  }
0x43: {  	v7 =	vld [tilespmem:$0x120]  }
0x44: {  	v9 =	vld [tilespmem:$0x1A0]  }
0x45: {  	v13 =	vld [tilespmem:$0x220]  }
0x46: {  	v19 =	vld [tilespmem:$0x2A0]  }
0x47: {  	v23 =	vld [tilespmem:$0x320]  }
0x48: {  	v51 =	vld [tilespmem:$0x920]  }
0x49: {  	v58 =	vld [tilespmem:$0x9A0]  }
0x4a: {  	v50 =	vld [tilespmem:$0xA20]  }
0x4b: {  	v52 =	vld [tilespmem:$0xAA0]  }
0x4c: {  	v53 =	vld [tilespmem:$0xB20]  }
0x4d: {  	v55 =	vld [tilespmem:$0xBA0]  }
0x4e: {  	v56 =	vld [tilespmem:$0xC20]  }
0x4f: {  	v1 =	vld [tilespmem:$0x10B0]  }
0x50: {  	v0 =	vld [tilespmem:$0xB0]  }
0x51: {  	v2 =	vld [tilespmem:$0x130]  }
0x52: {  	v3 =	vld [tilespmem:$0x1B0]  }
0x53: {  	v6 =	vld [tilespmem:$0x230]  }
0x54: {  	v8 =	vld [tilespmem:$0x2B0]  }
0x55: {  	v10 =	vld [tilespmem:$0x330]  }
0x56: {  	v16 =	vld [tilespmem:$0x3B0]  }
0x57: {  	v20 =	vld [tilespmem:$0x430]  }
0x58: {  	v24 =	vld [tilespmem:$0x8B0]  }
0x59: {  	v60 =	vld [tilespmem:$0xB30]  }
0x5a: {  	v12 =	vld [tilespmem:$0xBB0]  }
0x5b: {  	v59 =	vld [tilespmem:$0xC30]  }
0x5c: {  	v62 =	vld [tilespmem:$0x10C0]  }
0x5d: {  	v63 =	vld [tilespmem:$0xC0]  }
0x5e: {  	v18 =	vld [tilespmem:$0x140]  }
0x5f: {  	v22 =	vld [tilespmem:$0x1C0]  }
0x60: {  	v14 =	vld [tilespmem:$0x10F0]  }
0x61: {  	[tilespmem:$0x1FA00] =	vst v25;
	v25 =	vld [tilespmem:$0x210]  }
0x62: {  	[tilespmem:$0x1FAA0] =	vst v34;
	v34 =	vld [tilespmem:$0x290]  }
0x63: {  	[tilespmem:$0x1FA60] =	vst v30;
	v30 =	vld [tilespmem:$0x3A0]  }
0x64: {  	[tilespmem:$0x1FAD0] =	vst v35;
	v35 =	vld [tilespmem:$0x420]  }
0x65: {  	[tilespmem:$0x1FA90] =	vst v43;
	v43 =	vld [tilespmem:$0x8A0]  }
0x66: {  	[tilespmem:$0x1FA80] =	vst v32;
	v32 =	vld [tilespmem:$0x930]  }
0x67: {  	[tilespmem:$0x1FB00] =	vst v36;
	v36 =	vld [tilespmem:$0x9B0]  }
0x68: {  	[tilespmem:$0x1FAC0] =	vst v44;
	v44 =	vld [tilespmem:$0xA30]  }
0x69: {  	[tilespmem:$0x1FB10] =	vst v53;
	v53 =	vld [tilespmem:$0xAB0]  }
0x6a: {  	[tilespmem:$0x1FA10] =	vst v26;
	v26 =	vld [tilespmem:$0x240]  }
0x6b: {  	[tilespmem:$0x1FA20] =	vst v28;
	v28 =	vld [tilespmem:$0x2C0]  }
0x6c: {  	[tilespmem:$0x1FA40] =	vst v29;
	v29 =	vld [tilespmem:$0x340]  }
0x6d: {  	[tilespmem:$0x1FB30] =	vst v37;
	v37 =	vld [tilespmem:$0x3C0]  }
0x6e: {  	[tilespmem:$0x1FA30] =	vst v39;
	v39 =	vld [tilespmem:$0x440]  }
0x6f: {  	[tilespmem:$0x1FA50] =	vst v40;
	v40 =	vld [tilespmem:$0x8C0]  }
0x70: {  	[tilespmem:$0x1FA70] =	vst v42;
	v42 =	vld [tilespmem:$0x940]  }
0x71: {  	[tilespmem:$0x1FAF0] =	vst v45;
	v45 =	vld [tilespmem:$0x9C0]  }
0x72: {  	[tilespmem:$0x1FB20] =	vst v47;
	v47 =	vld [tilespmem:$0xA40]  }
0x73: {  	[tilespmem:$0x1FB50] =	vst v49;
	v49 =	vld [tilespmem:$0xAC0]  }
0x74: {  	[tilespmem:$0x1FAB0] =	vst v50;
	v50 =	vld [tilespmem:$0xB40]  }
0x75: {  	[tilespmem:$0x1FAE0] =	vst v52;
	v52 =	vld [tilespmem:$0xBC0]  }
0x76: {  	[tilespmem:$0x1FB40] =	vst v55;
	v55 =	vld [tilespmem:$0xC40]  }
0x77: {  	[tilespmem:$0x1FBA0] =	vst v59;
	v59 =	vld [tilespmem:$0x1D0]  }
0x78: {  	[tilespmem:$0x1FB70] =	vst v56;
	v56 =	vld [tilespmem:$0x250]  }
0x79: {  	[tilespmem:$0x1FB80] =	vst v62;
	v62 =	vld [tilespmem:$0x2D0]  }
0x7a: {  	[tilespmem:$0x1FB90] =	vst v63;
	v63 =	vld [tilespmem:$0x350]  }
0x7b: {  	[tilespmem:$0x1FBB0] =	vst v18;
	v18 =	vld [tilespmem:$0x3D0]  }
0x7c: {  	[tilespmem:$0x1FBC0] =	vst v22;
	v22 =	vld [tilespmem:$0x450]  }
0x7d: {  	[tilespmem:$0x1FB60] =	vst v12;
	v12 =	vld [tilespmem:$0xF0];
	v27 =	vadd.f32 v27, v31  }
0x7e: {  	v11 =	vadd.f32 v11, v15;
	v31 =	vld [tilespmem:$0xE80];
	v0 =	vadd.f32 v0, v1  }
0x7f: {  	v4 =	vadd.f32 v4, v5;
	v15 =	vld [tilespmem:$0xF80];
	v27 =	vadd.f32 v33, v27  }
0x80: {  	v33 =	vadd.f32 v17, v11;
	v0 =	vadd.f32 v2, v0;
	v17 =	vld [tilespmem:$0x1000]  }
0x81: {  	v4 =	vadd.f32 v7, v4;
	v7 =	vld [tilespmem:$0x510]  }
0x82: {  	v3 =	vadd.f32 v3, v0;
	v0 =	vld [tilespmem:$0x490]  }
0x83: {  	v5 =	vadd.f32 v21, v33;
	v33 =	vld [tilespmem:$0x1FA00]  }
0x84: {  	v11 =	vadd.f32 v38, v27;
	v38 =	vld [tilespmem:$0x1FA10]  }
0x85: {  	v21 =	vadd.f32 v9, v4;
	v9 =	vld [tilespmem:$0x1FA50]  }
0x86: {  	[tilespmem:$0x1FD70] =	vst v49;
	v49 =	vld [tilespmem:$0x10D0]  }
0x87: {  	[tilespmem:$0x1FCF0] =	vst v45;
	v45 =	vld [tilespmem:$0xD0]  }
0x88: {  	[tilespmem:$0x1FDF0] =	vst v52;
	v52 =	vld [tilespmem:$0x150]  }
0x89: {  	[tilespmem:$0x1FBD0] =	vst v26;
	v26 =	vld [tilespmem:$0x8D0]  }
0x8a: {  	[tilespmem:$0x1FBF0] =	vst v28;
	v28 =	vld [tilespmem:$0x950]  }
0x8b: {  	[tilespmem:$0x1FC10] =	vst v29;
	v29 =	vld [tilespmem:$0x9D0]  }
0x8c: {  	[tilespmem:$0x1FC30] =	vst v37;
	v37 =	vld [tilespmem:$0xA50]  }
0x8d: {  	[tilespmem:$0x1FC50] =	vst v39;
	v39 =	vld [tilespmem:$0xAD0]  }
0x8e: {  	[tilespmem:$0x1FC80] =	vst v40;
	v40 =	vld [tilespmem:$0xB50]  }
0x8f: {  	[tilespmem:$0x1FCB0] =	vst v42;
	v42 =	vld [tilespmem:$0xBD0]  }
0x90: {  	[tilespmem:$0x1FD30] =	vst v47;
	v47 =	vld [tilespmem:$0xC50]  }
0x91: {  	[tilespmem:$0x1FE30] =	vst v55;
	v55 =	vld [tilespmem:$0x2E0]  }
0x92: {  	[tilespmem:$0x1FC20] =	vst v63;
	v63 =	vld [tilespmem:$0x360]  }
0x93: {  	[tilespmem:$0x1FDB0] =	vst v50;
	v50 =	vld [tilespmem:$0x3E0]  }
0x94: {  	[tilespmem:$0x1FBE0] =	vst v56;
	v56 =	vld [tilespmem:$0x460]  }
0x95: {  	[tilespmem:$0x1FC00] =	vst v62;
	v62 =	vld [tilespmem:$0x8E0]  }
0x96: {  	[tilespmem:$0x1FC40] =	vst v18;
	v18 =	vld [tilespmem:$0x960]  }
0x97: {  	[tilespmem:$0x1FC70] =	vst v22;
	v22 =	vld [tilespmem:$0x9E0]  }
0x98: {  	[tilespmem:$0x1FFD0] =	vst v15;
	v15 =	vld [tilespmem:$0x1FA70]  }
0x99: {  	v1 =	vadd.f32 v46, v11;
	v11 =	vld [tilespmem:$0x590]  }
0x9a: {  	[tilespmem:$0x1FFA0] =	vst v31;
	v31 =	vadd.f32 v6, v3;
	v3 =	vld [tilespmem:$0x610]  }
0x9b: {  	v46 =	vld [tilespmem:$0x1FA20]  }
0x9c: {  	v2 =	vadd.f32 v13, v21;
	v13 =	vld [tilespmem:$0xF10]  }
0x9d: {  	v21 =	vld [tilespmem:$0x1FA90]  }
0x9e: {  	v6 =	vld [tilespmem:$0x1120]  }
0x9f: {  	v27 =	vadd.f32 v25, v5;
	v25 =	vld [tilespmem:$0x1FAC0]  }
0xa0: {  	[tilespmem:$0x1FFF0] =	vst v17;
	v17 =	vld [tilespmem:$0x1110]  }
0xa1: {  	v5 =	vadd.f32 v8, v31;
	v31 =	vld [tilespmem:$0x690]  }
0xa2: {  	v4 =	vadd.f32 v34, v27;
	v34 =	vld [tilespmem:$0x710]  }
0xa3: {  	v1 =	vadd.f32 v54, v1;
	v54 =	vld [tilespmem:$0x1FA30]  }
0xa4: {  	v2 =	vadd.f32 v19, v2;
	v19 =	vld [tilespmem:$0xF90]  }
0xa5: {  	v8 =	vld [tilespmem:$0x4A0]  }
0xa6: {  	[tilespmem:$0x1FCD0] =	vst v28;
	v28 =	vld [tilespmem:$0x10E0]  }
0xa7: {  	[tilespmem:$0x1FCA0] =	vst v26;
	v26 =	vld [tilespmem:$0xE0]  }
0xa8: {  	[tilespmem:$0x1FD50] =	vst v37;
	v37 =	vld [tilespmem:$0x160]  }
0xa9: {  	[tilespmem:$0x1FDD0] =	vst v40;
	v40 =	vld [tilespmem:$0x1E0]  }
0xaa: {  	[tilespmem:$0x1FE50] =	vst v47;
	v47 =	vld [tilespmem:$0x260]  }
0xab: {  	[tilespmem:$0x1FD10] =	vst v29;
	v29 =	vld [tilespmem:$0xA60]  }
0xac: {  	[tilespmem:$0x1FD90] =	vst v39;
	v39 =	vld [tilespmem:$0xAE0]  }
0xad: {  	[tilespmem:$0x1FE10] =	vst v42;
	v42 =	vld [tilespmem:$0xB60]  }
0xae: {  	[tilespmem:$0x1FC60] =	vst v50;
	v50 =	vld [tilespmem:$0xBE0]  }
0xaf: {  	[tilespmem:$0x1FC90] =	vst v56;
	v56 =	vld [tilespmem:$0xC60]  }
0xb0: {  	[tilespmem:$0x1FD00] =	vst v18;
	v18 =	vld [tilespmem:$0x170]  }
0xb1: {  	[tilespmem:$0x1FD40] =	vst v22;
	v22 =	vld [tilespmem:$0x1F0]  }
0xb2: {  	[tilespmem:$0x1FCC0] =	vst v62;
	v62 =	vld [tilespmem:$0x8F0]  }
0xb3: {  	v4 =	vadd.f32 v41, v4;
	v41 =	vld [tilespmem:$0x810]  }
0xb4: {  	v1 =	vadd.f32 v61, v1;
	v61 =	vld [tilespmem:$0x1FA40]  }
0xb5: {  	v5 =	vadd.f32 v10, v5;
	v10 =	vld [tilespmem:$0x1FA60]  }
0xb6: {  	v2 =	vadd.f32 v23, v2;
	v23 =	vld [tilespmem:$0x1FAA0]  }
0xb7: {  	v4 =	vadd.f32 v48, v4;
	v48 =	vld [tilespmem:$0xD10]  }
0xb8: {  	v5 =	vadd.f32 v16, v5;
	v16 =	vld [tilespmem:$0xD90]  }
0xb9: {  	v1 =	vadd.f32 v33, v1;
	v33 =	vld [tilespmem:$0xE90]  }
0xba: {  	v2 =	vadd.f32 v30, v2;
	v30 =	vld [tilespmem:$0x1FAD0]  }
0xbb: {  	[tilespmem:$0x1FF00] =	vst v34;
	v34 =	vld [tilespmem:$0x790]  }
0xbc: {  	[tilespmem:$0x1FFE0] =	vst v19;
	v19 =	vadd.f32 v12, v14;
	v14 =	vld [tilespmem:$0x1130]  }
0xbd: {  	v8 =	vadd.f32 v8, v6;
	v6 =	vld [tilespmem:$0xD40]  }
0xbe: {  	v4 =	vadd.f32 v57, v4;
	v57 =	vld [tilespmem:$0xC90]  }
0xbf: {  	v5 =	vadd.f32 v20, v5;
	v20 =	vld [tilespmem:$0x1FA80]  }
0xc0: {  	v0 =	vadd.f32 v0, v17;
	v2 =	vadd.f32 v35, v2;
	v35 =	vld [tilespmem:$0x1FAF0]  }
0xc1: {  	v1 =	vadd.f32 v38, v1;
	v38 =	vld [tilespmem:$0x1FB10]  }
0xc2: {  	v0 =	vadd.f32 v7, v0;
	v7 =	vld [tilespmem:$0xEC0]  }
0xc3: {  	[tilespmem:$0x1FD80] =	vst v29;
	v29 =	vld [tilespmem:$0x270]  }
0xc4: {  	[tilespmem:$0x1FDC0] =	vst v39;
	v39 =	vld [tilespmem:$0x2F0]  }
0xc5: {  	[tilespmem:$0x1FE00] =	vst v42;
	v42 =	vld [tilespmem:$0x370]  }
0xc6: {  	[tilespmem:$0x1FE40] =	vst v50;
	v50 =	vld [tilespmem:$0x3F0]  }
0xc7: {  	[tilespmem:$0x1FE70] =	vst v56;
	v56 =	vld [tilespmem:$0x470]  }
0xc8: {  	[tilespmem:$0x1FCE0] =	vst v62;
	v62 =	vld [tilespmem:$0x970]  }
0xc9: {  	[tilespmem:$0x1FF30] =	vst v41;
	v41 =	vld [tilespmem:$0x520]  }
0xca: {  	v5 =	vadd.f32 v24, v5;
	v24 =	vld [tilespmem:$0x1FAB0]  }
0xcb: {  	v2 =	vadd.f32 v43, v2;
	v43 =	vld [tilespmem:$0x1FB20]  }
0xcc: {  	v1 =	vadd.f32 v46, v1;
	v46 =	vld [tilespmem:$0x1FB30]  }
0xcd: {  	v4 =	vadd.f32 v54, v4;
	v54 =	vld [tilespmem:$0x1FB70]  }
0xce: {  	v0 =	vadd.f32 v11, v0;
	v11 =	vld [tilespmem:$0xE40]  }
0xcf: {  	[tilespmem:$0x1FF60] =	vst v48;
	v48 =	vld [tilespmem:$0x1FB40]  }
0xd0: {  	v5 =	vadd.f32 v32, v5;
	v32 =	vld [tilespmem:$0x1FAE0]  }
0xd1: {  	v2 =	vadd.f32 v51, v2;
	v51 =	vld [tilespmem:$0x1FB50]  }
0xd2: {  	v1 =	vadd.f32 v61, v1;
	v61 =	vld [tilespmem:$0x1FBA0]  }
0xd3: {  	[tilespmem:$0x1FD20] =	vst v62;
	v62 =	vld [tilespmem:$0x9F0]  }
0xd4: {  	v5 =	vadd.f32 v36, v5;
	v36 =	vld [tilespmem:$0x1FB00]  }
0xd5: {  	v4 =	vadd.f32 v9, v4;
	v2 =	vadd.f32 v58, v2;
	v58 =	vld [tilespmem:$0x1FB80]  }
0xd6: {  	v0 =	vadd.f32 v3, v0;
	v1 =	vadd.f32 v10, v1;
	v10 =	vld [tilespmem:$0x1FBB0]  }
0xd7: {  	v4 =	vadd.f32 v15, v4;
	v15 =	vadd.f32 v26, v28;
	v28 =	vld [tilespmem:$0x1FBC0]  }
0xd8: {  	v26 =	vld [tilespmem:$0x4B0]  }
0xd9: {  	v0 =	vadd.f32 v31, v0;
	v31 =	vld [tilespmem:$0x4D0]  }
0xda: {  	v27 =	vadd.f32 v44, v5;
	v5 =	vld [tilespmem:$0x5A0]  }
0xdb: {  	v44 =	vld [tilespmem:$0x620]  }
0xdc: {  	v4 =	vadd.f32 v21, v4;
	v2 =	vadd.f32 v24, v2;
	v21 =	vld [tilespmem:$0xD20]  }
0xdd: {  	v24 =	vld [tilespmem:$0xEA0]  }
0xde: {  	v2 =	vadd.f32 v32, v2;
	v32 =	vld [tilespmem:$0x6A0]  }
0xdf: {  	v9 =	vadd.f32 v53, v27;
	v53 =	vld [tilespmem:$0x1FB60]  }
0xe0: {  	v27 =	vld [tilespmem:$0xDA0]  }
0xe1: {  	v1 =	vadd.f32 v20, v1;
	v4 =	vadd.f32 v25, v4;
	v25 =	vld [tilespmem:$0xE20]  }
0xe2: {  	[tilespmem:$0x1FD60] =	vst v62;
	v62 =	vld [tilespmem:$0xA70]  }
0xe3: {  	v1 =	vadd.f32 v23, v1;
	v2 =	vadd.f32 v38, v2;
	v38 =	vld [tilespmem:$0x720]  }
0xe4: {  	v8 =	vadd.f32 v41, v8;
	v4 =	vadd.f32 v35, v4;
	v35 =	vld [tilespmem:$0x820]  }
0xe5: {  	v1 =	vadd.f32 v30, v1;
	v9 =	vadd.f32 v60, v9;
	v60 =	vld [tilespmem:$0x1FB90]  }
0xe6: {  	v5 =	vadd.f32 v5, v8;
	v8 =	vld [tilespmem:$0xF40]  }
0xe7: {  	v1 =	vadd.f32 v36, v1;
	v36 =	vld [tilespmem:$0xCA0]  }
0xe8: {  	v4 =	vadd.f32 v43, v4;
	v43 =	vld [tilespmem:$0x1FBE0]  }
0xe9: {  	v41 =	vadd.f32 v44, v5;
	v5 =	vld [tilespmem:$0xFC0]  }
0xea: {  	[tilespmem:$0x1FDA0] =	vst v62;
	v62 =	vld [tilespmem:$0xAF0]  }
0xeb: {  	v30 =	vadd.f32 v46, v1;
	v1 =	vadd.f32 v48, v2;
	v48 =	vld [tilespmem:$0x7A0]  }
0xec: {  	v23 =	vadd.f32 v51, v4;
	v4 =	vadd.f32 v37, v15;
	v15 =	vld [tilespmem:$0xF20]  }
0xed: {  	v37 =	vld [tilespmem:$0x1FBD0]  }
0xee: {  	v46 =	vld [tilespmem:$0x1FBF0]  }
0xef: {  	v2 =	vadd.f32 v53, v9;
	v9 =	vadd.f32 v45, v49;
	v49 =	vld [tilespmem:$0x1FC00]  }
0xf0: {  	v51 =	vld [tilespmem:$0x1FC10]  }
0xf1: {  	v53 =	vld [tilespmem:$0x1FC30]  }
0xf2: {  	[tilespmem:$0x1FFC0] =	vst v13;
	v13 =	vadd.f32 v61, v2;
	v2 =	vadd.f32 v52, v9;
	v52 =	vld [tilespmem:$0x1FC20]  }
0xf3: {  	v20 =	vadd.f32 v54, v1;
	v54 =	vld [tilespmem:$0x1FC40]  }
0xf4: {  	v1 =	vadd.f32 v60, v58;
	v58 =	vld [tilespmem:$0x1FC60]  }
0xf5: {  	v4 =	vadd.f32 v40, v4;
	v40 =	vld [tilespmem:$0x730]  }
0xf6: {  	v60 =	vld [tilespmem:$0x1FC80]  }
0xf7: {  	v61 =	vld [tilespmem:$0x1FC90]  }
0xf8: {  	v9 =	vadd.f32 v18, v19;
	v19 =	vld [tilespmem:$0x840]  }
0xf9: {  	v1 =	vadd.f32 v10, v1;
	v10 =	vld [tilespmem:$0xFA0]  }
0xfa: {  	v45 =	vadd.f32 v22, v9;
	v9 =	vld [tilespmem:$0x1020]  }
0xfb: {  	v2 =	vadd.f32 v59, v2;
	v59 =	vld [tilespmem:$0x1FC70]  }
0xfc: {  	v22 =	vld [tilespmem:$0x1FCB0]  }
0xfd: {  	v4 =	vadd.f32 v47, v4;
	v47 =	vld [tilespmem:$0x1FCD0]  }
0xfe: {  	[tilespmem:$0x1FDE0] =	vst v62;
	v62 =	vld [tilespmem:$0xB70]  }
0xff: {  	v1 =	vadd.f32 v28, v1;
	v28 =	vld [tilespmem:$0x530]  }
0x100: {  	v12 =	vadd.f32 v29, v45;
	v29 =	vld [tilespmem:$0x5B0]  }
0x101: {  	v4 =	vadd.f32 v55, v4;
	v55 =	vld [tilespmem:$0x1FC50]  }
0x102: {  	v2 =	vadd.f32 v43, v2;
	v43 =	vld [tilespmem:$0x830]  }
0x103: {  	v45 =	vld [tilespmem:$0xCB0]  }
0x104: {  	v1 =	vadd.f32 v37, v1;
	v37 =	vld [tilespmem:$0x630]  }
0x105: {  	v12 =	vadd.f32 v39, v12;
	v39 =	vld [tilespmem:$0x6B0]  }
0x106: {  	v4 =	vadd.f32 v63, v4;
	v63 =	vld [tilespmem:$0x1FCA0]  }
0x107: {  	v2 =	vadd.f32 v49, v2;
	v49 =	vld [tilespmem:$0x1FCE0]  }
0x108: {  	[tilespmem:$0x1FE20] =	vst v62;
	v62 =	vld [tilespmem:$0xBF0]  }
0x109: {  	v12 =	vadd.f32 v42, v12;
	v42 =	vld [tilespmem:$0x7B0]  }
0x10a: {  	v1 =	vadd.f32 v46, v1;
	v46 =	vld [tilespmem:$0x1FCC0]  }
0x10b: {  	v2 =	vadd.f32 v52, v2;
	v52 =	vld [tilespmem:$0x1FD10]  }
0x10c: {  	v4 =	vadd.f32 v58, v4;
	v58 =	vld [tilespmem:$0x1FD60]  }
0x10d: {  	v12 =	vadd.f32 v50, v12;
	v50 =	vld [tilespmem:$0x1FCF0]  }
0x10e: {  	v1 =	vadd.f32 v51, v1;
	v51 =	vld [tilespmem:$0x1FD00]  }
0x10f: {  	v2 =	vadd.f32 v54, v2;
	v54 =	vld [tilespmem:$0x1FD30]  }
0x110: {  	v4 =	vadd.f32 v61, v4;
	v61 =	vld [tilespmem:$0x1FD90]  }
0x111: {  	v1 =	vadd.f32 v53, v1;
	v53 =	vld [tilespmem:$0x1FD20]  }
0x112: {  	v12 =	vadd.f32 v56, v12;
	v56 =	vld [tilespmem:$0x1FD50]  }
0x113: {  	v2 =	vadd.f32 v59, v2;
	v59 =	vld [tilespmem:$0x1FD70]  }
0x114: {  	[tilespmem:$0x1FE60] =	vst v62;
	v62 =	vld [tilespmem:$0xC70]  }
0x115: {  	v4 =	vadd.f32 v46, v4;
	v46 =	vld [tilespmem:$0xD30]  }
0x116: {  	v12 =	vadd.f32 v49, v12;
	v49 =	vld [tilespmem:$0xE30]  }
0x117: {  	v1 =	vadd.f32 v55, v1;
	v55 =	vld [tilespmem:$0x1FD40]  }
0x118: {  	v2 =	vadd.f32 v63, v2;
	v63 =	vld [tilespmem:$0x1FDA0]  }
0x119: {  	v4 =	vadd.f32 v51, v4;
	v51 =	vld [tilespmem:$0xF30]  }
0x11a: {  	v2 =	vadd.f32 v47, v2;
	v47 =	vld [tilespmem:$0xDB0]  }
0x11b: {  	v1 =	vadd.f32 v60, v1;
	v60 =	vld [tilespmem:$0x1FD80]  }
0x11c: {  	[tilespmem:$0x1FEA0] =	vst v62;
	v62 =	vld [tilespmem:$0x1100]  }
0x11d: {  	v12 =	vadd.f32 v53, v12;
	v53 =	vld [tilespmem:$0x1030];
	v1 =	vadd.f32 v22, v1  }
0x11e: {  	v22 =	vld [tilespmem:$0x1FDB0]  }
0x11f: {  	v4 =	vadd.f32 v55, v4;
	v55 =	vld [tilespmem:$0x1FDC0];
	v1 =	vadd.f32 v50, v1  }
0x120: {  	v12 =	vadd.f32 v58, v12;
	v58 =	vld [tilespmem:$0x1FDE0]  }
0x121: {  	v1 =	vadd.f32 v54, v1;
	[tilespmem:$0x1FE80] =	vst v62;
	v62 =	vld [tilespmem:$0x480]  }
0x122: {  	v4 =	vadd.f32 v60, v4;
	v60 =	vld [tilespmem:$0x1FE00]  }
0x123: {  	v1 =	vadd.f32 v59, v1;
	v59 =	vld [tilespmem:$0x1FDF0]  }
0x124: {  	v12 =	vadd.f32 v63, v12;
	v63 =	vld [tilespmem:$0x1FE20]  }
0x125: {  	v1 =	vadd.f32 v22, v1;
	v22 =	vld [tilespmem:$0x1FE30]  }
0x126: {  	v4 =	vadd.f32 v55, v4;
	[tilespmem:$0x1FE90] =	vst v62;
	v62 =	vld [tilespmem:$0x500]  }
0x127: {  	v2 =	vadd.f32 v52, v2;
	v52 =	vld [tilespmem:$0xFB0];
	v12 =	vadd.f32 v58, v12  }
0x128: {  	v4 =	vadd.f32 v60, v4;
	v60 =	vld [tilespmem:$0x1FE40];
	v1 =	vadd.f32 v59, v1  }
0x129: {  	v12 =	vadd.f32 v63, v12;
	v63 =	vld [tilespmem:$0x1FE60]  }
0x12a: {  	v1 =	vadd.f32 v22, v1;
	v22 =	vld [tilespmem:$0x1FE70]  }
0x12b: {  	[tilespmem:$0x1FEB0] =	vst v62;
	v62 =	vld [tilespmem:$0x580]  }
0x12c: {  	v50 =	vld [tilespmem:$0xEB0]  }
0x12d: {  	v2 =	vadd.f32 v56, v2;
	v56 =	vld [tilespmem:$0x1FDD0];
	v4 =	vadd.f32 v60, v4  }
0x12e: {  	v12 =	vadd.f32 v63, v12;
	v63 =	vld [tilespmem:$0x1FE80]  }
0x12f: {  	v4 =	vadd.f32 v22, v4;
	v22 =	vld [tilespmem:$0x1FE90]  }
0x130: {  	[tilespmem:$0x1FEC0] =	vst v62;
	v62 =	vld [tilespmem:$0x600]  }
0x131: {  	v54 =	vld [tilespmem:$0x1140]  }
0x132: {  	v2 =	vadd.f32 v61, v2;
	v61 =	vld [tilespmem:$0x1FE10]  }
0x133: {  	v55 =	vld [tilespmem:$0x4C0]  }
0x134: {  	v18 =	vadd.f32 v22, v63;
	v63 =	vld [tilespmem:$0x1FEA0]  }
0x135: {  	[tilespmem:$0x1FED0] =	vst v62;
	v62 =	vld [tilespmem:$0x680]  }
0x136: {  	v58 =	vld [tilespmem:$0x5C0];
	v2 =	vadd.f32 v56, v2  }
0x137: {  	v56 =	vld [tilespmem:$0x540]  }
0x138: {  	v2 =	vadd.f32 v61, v2;
	v61 =	vld [tilespmem:$0x1FE50]  }
0x139: {  	v12 =	vadd.f32 v63, v12;
	v63 =	vld [tilespmem:$0x1FEB0]  }
0x13a: {  	[tilespmem:$0x1FEE0] =	vst v62;
	v62 =	vld [tilespmem:$0x700]  }
0x13b: {  	v59 =	vld [tilespmem:$0x640]  }
0x13c: {  	v60 =	vld [tilespmem:$0x6C0]  }
0x13d: {  	v2 =	vadd.f32 v61, v2;
	v61 =	vld [tilespmem:$0x740]  }
0x13e: {  	v17 =	vadd.f32 v63, v18;
	v63 =	vadd.f32 v26, v14;
	v26 =	vld [tilespmem:$0x1FEC0]  }
0x13f: {  	[tilespmem:$0x1FEF0] =	vst v62;
	v62 =	vld [tilespmem:$0x780]  }
0x140: {  	v22 =	vld [tilespmem:$0x7C0]  }
0x141: {  	v18 =	vld [tilespmem:$0xCC0]  }
0x142: {  	v14 =	vld [tilespmem:$0xDC0]  }
0x143: {  	v17 =	vadd.f32 v26, v17;
	v26 =	vadd.f32 v28, v63;
	v63 =	vld [tilespmem:$0x1FED0]  }
0x144: {  	[tilespmem:$0x1FF10] =	vst v62;
	v62 =	vld [tilespmem:$0x800]  }
0x145: {  	v28 =	vadd.f32 v29, v26;
	v29 =	vld [tilespmem:$0x1FEE0]  }
0x146: {  	v26 =	vadd.f32 v32, v41;
	v32 =	vld [tilespmem:$0x550]  }
0x147: {  	v44 =	vadd.f32 v37, v28;
	v37 =	vld [tilespmem:$0x1FF00]  }
0x148: {  	v26 =	vadd.f32 v38, v26;
	v38 =	vld [tilespmem:$0x6D0]  }
0x149: {  	v17 =	vadd.f32 v63, v17;
	v63 =	vld [tilespmem:$0x1FEF0]  }
0x14a: {  	[tilespmem:$0x1FF20] =	vst v62;
	v62 =	vld [tilespmem:$0xC80]  }
0x14b: {  	v28 =	vadd.f32 v39, v44;
	v39 =	vld [tilespmem:$0x1FF10]  }
0x14c: {  	v44 =	vld [tilespmem:$0x1FF30]  }
0x14d: {  	v17 =	vadd.f32 v29, v17;
	v29 =	vld [tilespmem:$0x1150]  }
0x14e: {  	v26 =	vadd.f32 v48, v26;
	v41 =	vld [tilespmem:$0x1FF20]  }
0x14f: {  	[tilespmem:$0x1FF40] =	vst v62;
	v62 =	vld [tilespmem:$0xD00]  }
0x150: {  	v26 =	vadd.f32 v35, v26;
	v35 =	vld [tilespmem:$0x750]  }
0x151: {  	v28 =	vadd.f32 v40, v28;
	v40 =	vld [tilespmem:$0xCD0]  }
0x152: {  	v0 =	vadd.f32 v37, v0;
	v37 =	vld [tilespmem:$0x650]  }
0x153: {  	v26 =	vadd.f32 v36, v26;
	v36 =	vld [tilespmem:$0x850]  }
0x154: {  	[tilespmem:$0x1FF50] =	vst v62;
	v62 =	vld [tilespmem:$0xD80]  }
0x155: {  	v17 =	vadd.f32 v63, v17;
	v28 =	vadd.f32 v42, v28;
	v42 =	vld [tilespmem:$0x1160]  }
0x156: {  	v0 =	vadd.f32 v34, v0;
	v34 =	vld [tilespmem:$0x5D0]  }
0x157: {  	v17 =	vadd.f32 v39, v17;
	v39 =	vld [tilespmem:$0x7D0]  }
0x158: {  	v21 =	vadd.f32 v21, v26;
	v26 =	vld [tilespmem:$0xD50]  }
0x159: {  	[tilespmem:$0x1FF70] =	vst v62;
	v62 =	vld [tilespmem:$0xE00]  }
0x15a: {  	v28 =	vadd.f32 v43, v28;
	v43 =	vld [tilespmem:$0x1170]  }
0x15b: {  	v48 =	vld [tilespmem:$0x1FF40]  }
0x15c: {  	v0 =	vadd.f32 v44, v0;
	v44 =	vld [tilespmem:$0x1FF60]  }
0x15d: {  	v21 =	vadd.f32 v27, v21;
	v27 =	vld [tilespmem:$0xE50]  }
0x15e: {  	[tilespmem:$0x1FF80] =	vst v62;
	v62 =	vld [tilespmem:$0xF00]  }
0x15f: {  	v17 =	vadd.f32 v41, v17;
	v28 =	vadd.f32 v45, v28;
	v41 =	vld [tilespmem:$0xED0]  }
0x160: {  	v29 =	vadd.f32 v31, v29;
	v45 =	vld [tilespmem:$0x1FFA0]  }
0x161: {  	v0 =	vadd.f32 v57, v0;
	v57 =	vadd.f32 v46, v28;
	v28 =	vld [tilespmem:$0xDD0]  }
0x162: {  	v29 =	vadd.f32 v32, v29;
	v21 =	vadd.f32 v25, v21;
	v25 =	vld [tilespmem:$0xF50]  }
0x163: {  	[tilespmem:$0x1FFB0] =	vst v62;
	v62 =	vld [tilespmem:$0xE10]  }
0x164: {  	v29 =	vadd.f32 v34, v29;
	v63 =	vld [tilespmem:$0x1FF50]  }
0x165: {  	v0 =	vadd.f32 v44, v0;
	v21 =	vadd.f32 v24, v21;
	v24 =	vld [tilespmem:$0x1050]  }
0x166: {  	v29 =	vadd.f32 v37, v29;
	v37 =	vld [tilespmem:$0xDE0]  }
0x167: {  	v0 =	vadd.f32 v16, v0;
	v16 =	vadd.f32 v47, v57;
	v47 =	vld [tilespmem:$0x1FFC0]  }
0x168: {  	v17 =	vadd.f32 v48, v17;
	v48 =	vld [tilespmem:$0x1FF70];
	[tilespmem:$0x1FF90] =	vst v62  }
0x169: {  	v44 =	vld [tilespmem:$0x1FF90]  }
0x16a: {  	v17 =	vadd.f32 v63, v17;
	v63 =	vld [tilespmem:$0x1FF80]  }
0x16b: {  	v15 =	vadd.f32 v15, v21;
	v21 =	vld [tilespmem:$0x4E0];
	v16 =	vadd.f32 v49, v16  }
0x16c: {  	v57 =	vld [tilespmem:$0x560]  }
0x16d: {  	v49 =	vld [tilespmem:$0x1FFE0];
	v16 =	vadd.f32 v50, v16;
	v17 =	vadd.f32 v48, v17  }
0x16e: {  	v46 =	vld [tilespmem:$0x1FFB0];
	v0 =	vadd.f32 v44, v0  }
0x16f: {  	v16 =	vadd.f32 v51, v16;
	v51 =	vld [tilespmem:$0x4F0];
	v17 =	vadd.f32 v63, v17  }
0x170: {  	v10 =	vadd.f32 v10, v15;
	v48 =	vld [tilespmem:$0x1FFD0];
	v0 =	vadd.f32 v33, v0  }
0x171: {  	v17 =	vadd.f32 v45, v17;
	v62 =	vld [tilespmem:$0x1010]  }
0x172: {  	v9 =	vadd.f32 v9, v10;
	v63 =	vld [tilespmem:$0x570];
	v0 =	vadd.f32 v47, v0  }
0x173: {  	v50 =	vld [tilespmem:$0x1FFF0];
	v21 =	vadd.f32 v21, v42;
	v17 =	vadd.f32 v46, v17  }
0x174: {  	v16 =	vadd.f32 v52, v16;
	v0 =	vadd.f32 v49, v0;
	v49 =	vld [tilespmem:$0x5F0]  }
0x175: {  	v15 =	vadd.f32 v51, v43;
	v51 =	vld [tilespmem:$0x670];
	v17 =	vadd.f32 v48, v17  }
0x176: {  	v48 =	vld [tilespmem:$0x5E0];
	v0 =	vadd.f32 v62, v0;
	v62 =	vadd.f32 v55, v54  }
0x177: {  	v16 =	vadd.f32 v53, v16;
	v53 =	vld [tilespmem:$0x6F0];
	v15 =	vadd.f32 v63, v15  }
0x178: {  	v17 =	vadd.f32 v50, v17;
	v50 =	vld [tilespmem:$0x660];
	v10 =	vadd.f32 v56, v62  }
0x179: {  	v21 =	vadd.f32 v57, v21;
	v52 =	vld [tilespmem:$0x6E0];
	v15 =	vadd.f32 v49, v15  }
0x17a: {  	v29 =	vadd.f32 v38, v29;
	v55 =	vld [tilespmem:$0x770];
	v10 =	vadd.f32 v58, v10  }
0x17b: {  	v57 =	vld [tilespmem:$0x7F0];
	v21 =	vadd.f32 v48, v21;
	v15 =	vadd.f32 v51, v15  }
0x17c: {  	v29 =	vadd.f32 v35, v29;
	v54 =	vld [tilespmem:$0x760];
	v10 =	vadd.f32 v59, v10  }
0x17d: {  	v21 =	vadd.f32 v50, v21;
	v56 =	vld [tilespmem:$0x7E0];
	v15 =	vadd.f32 v53, v15  }
0x17e: {  	v29 =	vadd.f32 v39, v29;
	v59 =	vld [tilespmem:$0x870];
	v10 =	vadd.f32 v60, v10  }
0x17f: {  	v21 =	vadd.f32 v52, v21;
	v62 =	vld [tilespmem:$0xCF0];
	v15 =	vadd.f32 v55, v15  }
0x180: {  	v29 =	vadd.f32 v36, v29;
	v58 =	vld [tilespmem:$0x860];
	v10 =	vadd.f32 v61, v10  }
0x181: {  	v36 =	vld [tilespmem:$0xD70];
	v21 =	vadd.f32 v54, v21;
	v15 =	vadd.f32 v57, v15  }
0x182: {  	v60 =	vld [tilespmem:$0xCE0];
	v10 =	vadd.f32 v22, v10  }
0x183: {  	v39 =	vld [tilespmem:$0xDF0];
	v61 =	vadd.f32 v56, v21;
	v15 =	vadd.f32 v59, v15  }
0x184: {  	v29 =	vadd.f32 v40, v29;
	v63 =	vld [tilespmem:$0xD60];
	v10 =	vadd.f32 v19, v10  }
0x185: {  	v42 =	vld [tilespmem:$0xE70];
	v35 =	vadd.f32 v58, v61;
	v15 =	vadd.f32 v62, v15  }
0x186: {  	v40 =	vld [tilespmem:$0xE60];
	v26 =	vadd.f32 v26, v29;
	v10 =	vadd.f32 v18, v10  }
0x187: {  	v45 =	vld [tilespmem:$0xEF0];
	v38 =	vadd.f32 v60, v35;
	v15 =	vadd.f32 v36, v15  }
0x188: {  	[tilespmem:$0x1080] =	vst v30;
	v43 =	vadd.f32 v28, v26;
	v44 =	vld [tilespmem:$0xEE0];
	v6 =	vadd.f32 v6, v10  }
0x189: {  	[tilespmem:$0x1090] =	vst v23;
	v33 =	vld [tilespmem:$0xFD0];
	v10 =	vadd.f32 v63, v38;
	v15 =	vadd.f32 v39, v15  }
0x18a: {  	[tilespmem:$0x10A0] =	vst v20;
	v46 =	vadd.f32 v27, v43;
	v50 =	vld [tilespmem:$0xF70];
	v6 =	vadd.f32 v14, v6  }
0x18b: {  	[tilespmem:$0x10B0] =	vst v13;
	v47 =	vld [tilespmem:$0xF60];
	v10 =	vadd.f32 v37, v10;
	v52 =	vadd.f32 v42, v15  }
0x18c: {  	[tilespmem:$0x10C0] =	vst v1;
	v51 =	vadd.f32 v41, v46;
	v55 =	vld [tilespmem:$0xFF0];
	v6 =	vadd.f32 v11, v6  }
0x18d: {  	[tilespmem:$0x10D0] =	vst v2;
	v53 =	vld [tilespmem:$0xFE0];
	v49 =	vadd.f32 v40, v10;
	v56 =	vadd.f32 v45, v52  }
0x18e: {  	[tilespmem:$0x10E0] =	vst v4;
	v2 =	vadd.f32 v25, v51;
	v58 =	vld [tilespmem:$0x1070];
	v48 =	vadd.f32 v7, v6  }
0x18f: {  	v3 =	vld [tilespmem:$0x1040];
	[tilespmem:$0x10F0] =	vst v12;
	v54 =	vadd.f32 v44, v49;
	v60 =	vadd.f32 v50, v56  }
0x190: {  	[tilespmem:$0x1120] =	vst v9;
	v57 =	vld [tilespmem:$0x1060];
	v59 =	vadd.f32 v33, v2;
	v1 =	vadd.f32 v8, v48  }
0x191: {  	[tilespmem:$0x1130] =	vst v16;
	v4 =	vadd.f32 v47, v54;
	v2 =	vadd.f32 v55, v60  }
0x192: {  	[tilespmem:$0x1110] =	vst v0;
	v0 =	vadd.f32 v24, v59;
	v1 =	vadd.f32 v5, v1  }
0x193: {  	[tilespmem:$0x1100] =	vst v17;
	v61 =	vadd.f32 v53, v4;
	v63 =	vadd.f32 v58, v2  }
0x194: {  	[tilespmem:$0x1150] =	vst v0;
	v1 =	vadd.f32 v3, v1  }
0x195: {  	v62 =	vadd.f32 v57, v61;
	[tilespmem:$0x1170] =	vst v63  }
0x196: {  	[tilespmem:$0x1140] =	vst v1  }
0x197: {  	s31 =	simm.s32 $0x4;
	[tilespmem:$0x1160] =	vst v62  }
0x198: {  	[hbm4b:s1+s23] =	stream.linear.scatter [tilespmem:s24], [sflag:$0x4], $0x100, $0x38;
	[tilespmem:$0x1180] =	vst v63  }
0x199: {  	_ =	swait.ge [sflag:s31], $0x100  }
0x19a: {  	[sflag:s31] =	ssyncset.done $0x0  }
0x19b: {  	[sflag:s31] =	ssyncadd.s32 $0xFFFFFF00  }
.LBB2_2:
0x19c: {  	_ =	sfence.sel $0x180000  }
0x19d: {  	[bflag:$0x0] =	sbarrier.arrive $0xFFFF  }
0x19e: {  	_ =	strace $0x90000047  }
0x19f: {  	s0 =	sadd.s32 @!p0 $0x100000, s0;
	[bflag:$0x2] =	sbarrier.arrive $0xFFFF  }
0x1a0: {  	[sflag:s0] =	ssyncadd.tile.s32 @!p0 $0x1;
	_ =	shalt  }
.Lfunc_end2:
_tile_overlayer_lowered:
.L_overlay_start_2:
0x1a1: {  	(tag) =	ssettag $0x2  }
0x1a2: {  	s0 =	rddreg [dreg:$0x0];
	s2 =	stileid.u32  }
0x1a3: {  	s1 =	rddreg [dreg:$0x1];
	p0 =	sne.s32 s2, $0x0  }
0x1a4: {  	s3 =	rddreg [dreg:$0x2];
	[bflag:$0x3] =	sbarrier.arrive $0xFFFF;
	s2 =	simm.s32 @!p0 $0x1C04  }
0x1a5: {  	[timem:s3], [sflag:s2] =	dma.local @!p0 [hbm:s0], s1  }
0x1a6: {  	s0 =	simm.s32 @!p0 $0x4  }
0x1a7: {  	_ =	swait.ge @!p0 [sflag:s0], s1  }
0x1a8: {  	s1 =	ssub.s32 @!p0 $0x0, s1;
	[sflag:s0] =	ssyncset.done @!p0 $0x0  }
0x1a9: {  	[sflag:s0] =	ssyncadd.s32 @!p0 s1  }
0x1aa: {  	[bflag:$0x3] =	sbarrier.arrive $0xFFFF  }
0x1ab: {  	_ =	shalt  }

</sc_bundles>
